<compile_context>
chip_gen: v7x
topology: tpu7x:2x2x1
jax: 0.10.2.dev20260603
libtpu: 0.0.44.dev20260713+nightly
codegen_flags: <defaults>
</compile_context>

<pallas_src>
import jax
import jax.numpy as jnp
from jax import lax
from jax.experimental import pallas as pl
from jax.experimental.pallas import tpu as pltpu
from jax.experimental.pallas import tpu_sc as plsc

N_ROWS = 32768
N_COLS = 384
LANES = 16
N_CORES = 2
N_SUBCORES = 16
N_WORKERS = N_CORES * N_SUBCORES
ROWS_PER_WORKER = N_ROWS // N_WORKERS
CHUNK_ROWS = 64
N_CHUNKS = ROWS_PER_WORKER // CHUNK_ROWS
COL_BLOCKS = N_COLS // LANES
NBUF = 2

SUB = 8
LANE = 128
ROW_TILE_WORDS = N_COLS * SUB
CHUNK_WORDS = CHUNK_ROWS * N_COLS
ROW_SPAN = (N_COLS // LANE - 1) * LANE * SUB + LANE


def _permute_body(x_hbm, perm_hbm, out_hbm, *scratch):
    wid = lax.axis_index("s") * N_CORES + lax.axis_index("c")
    base_word = wid * ROWS_PER_WORKER * N_COLS

    bufs_in = scratch[:NBUF]
    bufs_out = scratch[NBUF:2 * NBUF]
    perm_v = scratch[2 * NBUF]
    sems_in = scratch[2 * NBUF + 1:2 * NBUF + 1 + NBUF]
    sems_out = scratch[2 * NBUF + 1 + NBUF:]

    def _prime(b, w0):
        return pltpu.make_async_copy(
            x_hbm.at[pl.ds(w0, CHUNK_WORDS)], bufs_in[b], sems_in[b])
    for b in range(NBUF):
        _prime(b, base_word + b * CHUNK_WORDS).start()

    pltpu.sync_copy(perm_hbm, perm_v)
    idx_vecs = []
    for k in range(COL_BLOCKS):
        pv = perm_v[pl.ds(k * LANES, LANES)]
        idx_vecs.append(
            ((pv >> 7) << 10) + (pv & 127))
    out_offs = [(k // 8) * (LANE * SUB) + (k % 8) * LANES
                for k in range(COL_BLOCKS)]

    def in_copy(g, b):
        w0 = base_word + g * CHUNK_WORDS
        return pltpu.make_async_copy(
            x_hbm.at[pl.ds(w0, CHUNK_WORDS)], bufs_in[b], sems_in[b])

    def out_copy(g, b):
        w0 = base_word + g * CHUNK_WORDS
        return pltpu.make_async_copy(
            bufs_out[b], out_hbm.at[pl.ds(w0, CHUNK_WORDS)], sems_out[b])

    def compute_chunk(b):
        @plsc.parallel_loop(0, CHUNK_ROWS, unroll=4)
        def row_body(r):
            rowbase = (r >> 3) * ROW_TILE_WORDS + (r & 7) * LANE
            src = bufs_in[b].at[pl.ds(rowbase, ROW_SPAN)]
            dst = bufs_out[b].at[pl.ds(rowbase, ROW_SPAN)]
            for k in range(COL_BLOCKS):
                dst[pl.ds(out_offs[k], LANES)] = plsc.load_gather(
                    src, [idx_vecs[k]])

    @pl.loop(0, N_CHUNKS, step=NBUF)
    def chunk_body(g0):
        for b in range(NBUF):
            g = g0 + b

            @pl.when(g >= NBUF)
            def _():
                out_copy(g - NBUF, b).wait()

            in_copy(g, b).wait()
            compute_chunk(b)
            out_copy(g, b).start()

            @pl.when(g < N_CHUNKS - NBUF)
            def _():
                in_copy(g + NBUF, b).start()

    for b in range(NBUF):
        out_copy(N_CHUNKS - NBUF + b, b).wait()


@jax.jit
def kernel(x, perm):
    x_flat = (x.reshape(N_ROWS // SUB, SUB, N_COLS // LANE, LANE)
               .transpose(0, 2, 1, 3).reshape(-1))
    run = pl.kernel(
        _permute_body,
        out_type=jax.ShapeDtypeStruct((N_ROWS * N_COLS,), jnp.float32),
        mesh=plsc.VectorSubcoreMesh(
            core_axis_name="c", subcore_axis_name="s",
            num_cores=N_CORES, num_subcores=N_SUBCORES,
        ),
        scratch_types=(
            [pltpu.VMEM((CHUNK_WORDS,), jnp.float32)] * (2 * NBUF)
            + [pltpu.VMEM((N_COLS,), jnp.int32)]
            + [pltpu.SemaphoreType.DMA] * (2 * NBUF)
        ),
        compiler_params=pltpu.CompilerParams(
            use_tc_tiling_on_sc=False, needs_layout_passes=False),
    )
    out_flat = run(x_flat, perm)
    return (out_flat.reshape(N_ROWS // SUB, N_COLS // LANE, SUB, LANE)
                    .transpose(0, 2, 1, 3).reshape(N_ROWS, N_COLS))

# --- scband reference (transcript-rebuilt; emitter-appended) ---
"""Pipeline reference for scband-permute-81157702025830 (READ-ONLY COPY).

The authoritative reference and input builder live on the scoring server;
editing this copy changes nothing except your own understanding.
"""

import jax, jax.numpy as jnp
import numpy as np

def setup_inputs(seed: int = 0) -> dict:
    key = jax.random.key(seed)
    x = jax.random.normal(key, (32768, 384), dtype=jnp.float32)
    # fixed channel permutation buffer (reversal), matching init_kwargs perm
    perm = jnp.arange(383, -1, -1, dtype=jnp.int32)
    return {"x": x, "perm": perm}

def reference(x, perm):
    # Permute.forward: fixed channel permutation via gather along dim 1
    return x[:, perm]

if __name__ == "__main__":
    import jax
    _d = setup_inputs()
    print(jax.jit(kernel)(*tuple(_d.values())))

</pallas_src>

<mosaic_0001>
#map = affine_map<(d0, d1) -> (0)>
module attributes {stable_mosaic.version = 14 : i64} {
  func.func @_permute_body(%arg0: i32, %arg1: i32, %arg2: memref<12582912xf32, #tpu.memory_space<hbm>>, %arg3: memref<384xi32, #tpu.memory_space<hbm>>, %arg4: memref<12582912xf32, #tpu.memory_space<hbm>>, %arg5: memref<24576xf32, #tpu.memory_space<vmem>>, %arg6: memref<24576xf32, #tpu.memory_space<vmem>>, %arg7: memref<24576xf32, #tpu.memory_space<vmem>>, %arg8: memref<24576xf32, #tpu.memory_space<vmem>>, %arg9: memref<384xi32, #tpu.memory_space<vmem>>, %arg10: memref<!tpu.dma_semaphore, #tpu.memory_space<semaphore_mem>>, %arg11: memref<!tpu.dma_semaphore, #tpu.memory_space<semaphore_mem>>, %arg12: memref<!tpu.dma_semaphore, #tpu.memory_space<semaphore_mem>>, %arg13: memref<!tpu.dma_semaphore, #tpu.memory_space<semaphore_mem>>) attributes {dimension_semantics = [#tpu.dimension_semantics<core_parallel>, #tpu.dimension_semantics<subcore_parallel>], iteration_bounds = array<i64: 2, 16>, scalar_prefetch = 0 : i64, scratch_operands = 9 : i64, tpu.core_type = #tpu.core_type<sc_vector_subcore>, window_params = [{transform_indices = #map}, {transform_indices = #map}, {transform_indices = #map}]} {
    %mul3A = arith.constant 2 : i32
    %mul3A_0 = arith.muli %arg1, %mul3A : i32
    %add3A = arith.addi %mul3A_0, %arg0 : i32
    %mul3A_1 = arith.constant 1024 : i32
    %mul3A_2 = arith.muli %add3A, %mul3A_1 : i32
    %mul3A_3 = arith.constant 384 : i32
    %mul3A_4 = arith.muli %mul3A_2, %mul3A_3 : i32
    %add3A_5 = arith.constant 0 : i32
    %add3A_6 = arith.addi %mul3A_4, %add3A_5 : i32
    %dma_start3A = tpu.memref_slice %arg2[%add3A_6] : memref<12582912xf32, #tpu.memory_space<hbm>> -> memref<24576xf32, #tpu.memory_space<hbm>>
    %dma_start3A_7 = tpu.memref_slice %arg2[%add3A_6] : memref<12582912xf32, #tpu.memory_space<hbm>> -> memref<24576xf32, #tpu.memory_space<hbm>>
    tpu.enqueue_dma source(%dma_start3A_7 : memref<24576xf32, #tpu.memory_space<hbm>>) target(%arg5 : memref<24576xf32, #tpu.memory_space<vmem>>) target_semaphore(%arg10 : memref<!tpu.dma_semaphore, #tpu.memory_space<semaphore_mem>>)
    %add3A_8 = arith.constant 24576 : i32
    %add3A_9 = arith.addi %mul3A_4, %add3A_8 : i32
    %dma_start3A_10 = tpu.memref_slice %arg2[%add3A_9] : memref<12582912xf32, #tpu.memory_space<hbm>> -> memref<24576xf32, #tpu.memory_space<hbm>>
    %dma_start3A_11 = tpu.memref_slice %arg2[%add3A_9] : memref<12582912xf32, #tpu.memory_space<hbm>> -> memref<24576xf32, #tpu.memory_space<hbm>>
    tpu.enqueue_dma source(%dma_start3A_11 : memref<24576xf32, #tpu.memory_space<hbm>>) target(%arg6 : memref<24576xf32, #tpu.memory_space<vmem>>) target_semaphore(%arg11 : memref<!tpu.dma_semaphore, #tpu.memory_space<semaphore_mem>>)
    "tpu.region"() ({
      %run_scoped3A = tpu.sem_alloc : memref<!tpu.dma_semaphore, #tpu.memory_space<semaphore_mem>>
      tpu.enqueue_dma source(%arg3 : memref<384xi32, #tpu.memory_space<hbm>>) target(%arg9 : memref<384xi32, #tpu.memory_space<vmem>>) target_semaphore(%run_scoped3A : memref<!tpu.dma_semaphore, #tpu.memory_space<semaphore_mem>>)
      tpu.wait_dma2 semaphore(%run_scoped3A : memref<!tpu.dma_semaphore, #tpu.memory_space<semaphore_mem>>) src(%arg3 : memref<384xi32, #tpu.memory_space<hbm>>) dst(%arg9 : memref<384xi32, #tpu.memory_space<vmem>>)
      tpu.yield
    }) : () -> ()
    %get3A = arith.constant 0 : index
    %get3A_12 = tpu.vector_load %arg9[%get3A] {strides = array<i32>} : memref<384xi32, #tpu.memory_space<vmem>>, vector<16xi32>,
    %shift_right_arithmetic3A = arith.constant 7 : i32
    %shift_right_arithmetic3A_13 = vector.broadcast %shift_right_arithmetic3A : i32 to vector<16xi32>
    %shift_right_arithmetic3A_14 = arith.shrsi %get3A_12, %shift_right_arithmetic3A_13 : vector<16xi32>
    %shift_left3A = arith.constant 10 : i32
    %shift_left3A_15 = vector.broadcast %shift_left3A : i32 to vector<16xi32>
    %shift_left3A_16 = arith.shli %shift_right_arithmetic3A_14, %shift_left3A_15 : vector<16xi32>
    %and3A = arith.constant 127 : i32
    %and3A_17 = vector.broadcast %and3A : i32 to vector<16xi32>
    %and3A_18 = arith.andi %get3A_12, %and3A_17 : vector<16xi32>
    %add3A_19 = arith.addi %shift_left3A_16, %and3A_18 : vector<16xi32>
    %get3A_20 = arith.constant 16 : index
    %get3A_21 = tpu.vector_load %arg9[%get3A_20] {strides = array<i32>} : memref<384xi32, #tpu.memory_space<vmem>>, vector<16xi32>,
    %shift_right_arithmetic3A_22 = arith.constant 7 : i32
    %shift_right_arithmetic3A_23 = vector.broadcast %shift_right_arithmetic3A_22 : i32 to vector<16xi32>
    %shift_right_arithmetic3A_24 = arith.shrsi %get3A_21, %shift_right_arithmetic3A_23 : vector<16xi32>
    %shift_left3A_25 = arith.constant 10 : i32
    %shift_left3A_26 = vector.broadcast %shift_left3A_25 : i32 to vector<16xi32>
    %shift_left3A_27 = arith.shli %shift_right_arithmetic3A_24, %shift_left3A_26 : vector<16xi32>
    %and3A_28 = arith.constant 127 : i32
    %and3A_29 = vector.broadcast %and3A_28 : i32 to vector<16xi32>
    %and3A_30 = arith.andi %get3A_21, %and3A_29 : vector<16xi32>
    %add3A_31 = arith.addi %shift_left3A_27, %and3A_30 : vector<16xi32>
    %get3A_32 = arith.constant 32 : index
    %get3A_33 = tpu.vector_load %arg9[%get3A_32] {strides = array<i32>} : memref<384xi32, #tpu.memory_space<vmem>>, vector<16xi32>,
    %shift_right_arithmetic3A_34 = arith.constant 7 : i32
    %shift_right_arithmetic3A_35 = vector.broadcast %shift_right_arithmetic3A_34 : i32 to vector<16xi32>
    %shift_right_arithmetic3A_36 = arith.shrsi %get3A_33, %shift_right_arithmetic3A_35 : vector<16xi32>
    %shift_left3A_37 = arith.constant 10 : i32
    %shift_left3A_38 = vector.broadcast %shift_left3A_37 : i32 to vector<16xi32>
    %shift_left3A_39 = arith.shli %shift_right_arithmetic3A_36, %shift_left3A_38 : vector<16xi32>
    %and3A_40 = arith.constant 127 : i32
    %and3A_41 = vector.broadcast %and3A_40 : i32 to vector<16xi32>
    %and3A_42 = arith.andi %get3A_33, %and3A_41 : vector<16xi32>
    %add3A_43 = arith.addi %shift_left3A_39, %and3A_42 : vector<16xi32>
    %get3A_44 = arith.constant 48 : index
    %get3A_45 = tpu.vector_load %arg9[%get3A_44] {strides = array<i32>} : memref<384xi32, #tpu.memory_space<vmem>>, vector<16xi32>,
    %shift_right_arithmetic3A_46 = arith.constant 7 : i32
    %shift_right_arithmetic3A_47 = vector.broadcast %shift_right_arithmetic3A_46 : i32 to vector<16xi32>
    %shift_right_arithmetic3A_48 = arith.shrsi %get3A_45, %shift_right_arithmetic3A_47 : vector<16xi32>
    %shift_left3A_49 = arith.constant 10 : i32
    %shift_left3A_50 = vector.broadcast %shift_left3A_49 : i32 to vector<16xi32>
    %shift_left3A_51 = arith.shli %shift_right_arithmetic3A_48, %shift_left3A_50 : vector<16xi32>
    %and3A_52 = arith.constant 127 : i32
    %and3A_53 = vector.broadcast %and3A_52 : i32 to vector<16xi32>
    %and3A_54 = arith.andi %get3A_45, %and3A_53 : vector<16xi32>
    %add3A_55 = arith.addi %shift_left3A_51, %and3A_54 : vector<16xi32>
    %get3A_56 = arith.constant 64 : index
    %get3A_57 = tpu.vector_load %arg9[%get3A_56] {strides = array<i32>} : memref<384xi32, #tpu.memory_space<vmem>>, vector<16xi32>,
    %shift_right_arithmetic3A_58 = arith.constant 7 : i32
    %shift_right_arithmetic3A_59 = vector.broadcast %shift_right_arithmetic3A_58 : i32 to vector<16xi32>
    %shift_right_arithmetic3A_60 = arith.shrsi %get3A_57, %shift_right_arithmetic3A_59 : vector<16xi32>
    %shift_left3A_61 = arith.constant 10 : i32
    %shift_left3A_62 = vector.broadcast %shift_left3A_61 : i32 to vector<16xi32>
    %shift_left3A_63 = arith.shli %shift_right_arithmetic3A_60, %shift_left3A_62 : vector<16xi32>
    %and3A_64 = arith.constant 127 : i32
    %and3A_65 = vector.broadcast %and3A_64 : i32 to vector<16xi32>
    %and3A_66 = arith.andi %get3A_57, %and3A_65 : vector<16xi32>
    %add3A_67 = arith.addi %shift_left3A_63, %and3A_66 : vector<16xi32>
    %get3A_68 = arith.constant 80 : index
    %get3A_69 = tpu.vector_load %arg9[%get3A_68] {strides = array<i32>} : memref<384xi32, #tpu.memory_space<vmem>>, vector<16xi32>,
    %shift_right_arithmetic3A_70 = arith.constant 7 : i32
    %shift_right_arithmetic3A_71 = vector.broadcast %shift_right_arithmetic3A_70 : i32 to vector<16xi32>
    %shift_right_arithmetic3A_72 = arith.shrsi %get3A_69, %shift_right_arithmetic3A_71 : vector<16xi32>
    %shift_left3A_73 = arith.constant 10 : i32
    %shift_left3A_74 = vector.broadcast %shift_left3A_73 : i32 to vector<16xi32>
    %shift_left3A_75 = arith.shli %shift_right_arithmetic3A_72, %shift_left3A_74 : vector<16xi32>
    %and3A_76 = arith.constant 127 : i32
    %and3A_77 = vector.broadcast %and3A_76 : i32 to vector<16xi32>
    %and3A_78 = arith.andi %get3A_69, %and3A_77 : vector<16xi32>
    %add3A_79 = arith.addi %shift_left3A_75, %and3A_78 : vector<16xi32>
    %get3A_80 = arith.constant 96 : index
    %get3A_81 = tpu.vector_load %arg9[%get3A_80] {strides = array<i32>} : memref<384xi32, #tpu.memory_space<vmem>>, vector<16xi32>,
    %shift_right_arithmetic3A_82 = arith.constant 7 : i32
    %shift_right_arithmetic3A_83 = vector.broadcast %shift_right_arithmetic3A_82 : i32 to vector<16xi32>
    %shift_right_arithmetic3A_84 = arith.shrsi %get3A_81, %shift_right_arithmetic3A_83 : vector<16xi32>
    %shift_left3A_85 = arith.constant 10 : i32
    %shift_left3A_86 = vector.broadcast %shift_left3A_85 : i32 to vector<16xi32>
    %shift_left3A_87 = arith.shli %shift_right_arithmetic3A_84, %shift_left3A_86 : vector<16xi32>
    %and3A_88 = arith.constant 127 : i32
    %and3A_89 = vector.broadcast %and3A_88 : i32 to vector<16xi32>
    %and3A_90 = arith.andi %get3A_81, %and3A_89 : vector<16xi32>
    %add3A_91 = arith.addi %shift_left3A_87, %and3A_90 : vector<16xi32>
    %get3A_92 = arith.constant 112 : index
    %get3A_93 = tpu.vector_load %arg9[%get3A_92] {strides = array<i32>} : memref<384xi32, #tpu.memory_space<vmem>>, vector<16xi32>,
    %shift_right_arithmetic3A_94 = arith.constant 7 : i32
    %shift_right_arithmetic3A_95 = vector.broadcast %shift_right_arithmetic3A_94 : i32 to vector<16xi32>
    %shift_right_arithmetic3A_96 = arith.shrsi %get3A_93, %shift_right_arithmetic3A_95 : vector<16xi32>
    %shift_left3A_97 = arith.constant 10 : i32
    %shift_left3A_98 = vector.broadcast %shift_left3A_97 : i32 to vector<16xi32>
    %shift_left3A_99 = arith.shli %shift_right_arithmetic3A_96, %shift_left3A_98 : vector<16xi32>
    %and3A_100 = arith.constant 127 : i32
    %and3A_101 = vector.broadcast %and3A_100 : i32 to vector<16xi32>
    %and3A_102 = arith.andi %get3A_93, %and3A_101 : vector<16xi32>
    %add3A_103 = arith.addi %shift_left3A_99, %and3A_102 : vector<16xi32>
    %get3A_104 = arith.constant 128 : index
    %get3A_105 = tpu.vector_load %arg9[%get3A_104] {strides = array<i32>} : memref<384xi32, #tpu.memory_space<vmem>>, vector<16xi32>,
    %shift_right_arithmetic3A_106 = arith.constant 7 : i32
    %shift_right_arithmetic3A_107 = vector.broadcast %shift_right_arithmetic3A_106 : i32 to vector<16xi32>
    %shift_right_arithmetic3A_108 = arith.shrsi %get3A_105, %shift_right_arithmetic3A_107 : vector<16xi32>
    %shift_left3A_109 = arith.constant 10 : i32
    %shift_left3A_110 = vector.broadcast %shift_left3A_109 : i32 to vector<16xi32>
    %shift_left3A_111 = arith.shli %shift_right_arithmetic3A_108, %shift_left3A_110 : vector<16xi32>
    %and3A_112 = arith.constant 127 : i32
    %and3A_113 = vector.broadcast %and3A_112 : i32 to vector<16xi32>
    %and3A_114 = arith.andi %get3A_105, %and3A_113 : vector<16xi32>
    %add3A_115 = arith.addi %shift_left3A_111, %and3A_114 : vector<16xi32>
    %get3A_116 = arith.constant 144 : index
    %get3A_117 = tpu.vector_load %arg9[%get3A_116] {strides = array<i32>} : memref<384xi32, #tpu.memory_space<vmem>>, vector<16xi32>,
    %shift_right_arithmetic3A_118 = arith.constant 7 : i32
    %shift_right_arithmetic3A_119 = vector.broadcast %shift_right_arithmetic3A_118 : i32 to vector<16xi32>
    %shift_right_arithmetic3A_120 = arith.shrsi %get3A_117, %shift_right_arithmetic3A_119 : vector<16xi32>
    %shift_left3A_121 = arith.constant 10 : i32
    %shift_left3A_122 = vector.broadcast %shift_left3A_121 : i32 to vector<16xi32>
    %shift_left3A_123 = arith.shli %shift_right_arithmetic3A_120, %shift_left3A_122 : vector<16xi32>
    %and3A_124 = arith.constant 127 : i32
    %and3A_125 = vector.broadcast %and3A_124 : i32 to vector<16xi32>
    %and3A_126 = arith.andi %get3A_117, %and3A_125 : vector<16xi32>
    %add3A_127 = arith.addi %shift_left3A_123, %and3A_126 : vector<16xi32>
    %get3A_128 = arith.constant 160 : index
    %get3A_129 = tpu.vector_load %arg9[%get3A_128] {strides = array<i32>} : memref<384xi32, #tpu.memory_space<vmem>>, vector<16xi32>,
    %shift_right_arithmetic3A_130 = arith.constant 7 : i32
    %shift_right_arithmetic3A_131 = vector.broadcast %shift_right_arithmetic3A_130 : i32 to vector<16xi32>
    %shift_right_arithmetic3A_132 = arith.shrsi %get3A_129, %shift_right_arithmetic3A_131 : vector<16xi32>
    %shift_left3A_133 = arith.constant 10 : i32
    %shift_left3A_134 = vector.broadcast %shift_left3A_133 : i32 to vector<16xi32>
    %shift_left3A_135 = arith.shli %shift_right_arithmetic3A_132, %shift_left3A_134 : vector<16xi32>
    %and3A_136 = arith.constant 127 : i32
    %and3A_137 = vector.broadcast %and3A_136 : i32 to vector<16xi32>
    %and3A_138 = arith.andi %get3A_129, %and3A_137 : vector<16xi32>
    %add3A_139 = arith.addi %shift_left3A_135, %and3A_138 : vector<16xi32>
    %get3A_140 = arith.constant 176 : index
    %get3A_141 = tpu.vector_load %arg9[%get3A_140] {strides = array<i32>} : memref<384xi32, #tpu.memory_space<vmem>>, vector<16xi32>,
    %shift_right_arithmetic3A_142 = arith.constant 7 : i32
    %shift_right_arithmetic3A_143 = vector.broadcast %shift_right_arithmetic3A_142 : i32 to vector<16xi32>
    %shift_right_arithmetic3A_144 = arith.shrsi %get3A_141, %shift_right_arithmetic3A_143 : vector<16xi32>
    %shift_left3A_145 = arith.constant 10 : i32
    %shift_left3A_146 = vector.broadcast %shift_left3A_145 : i32 to vector<16xi32>
    %shift_left3A_147 = arith.shli %shift_right_arithmetic3A_144, %shift_left3A_146 : vector<16xi32>
    %and3A_148 = arith.constant 127 : i32
    %and3A_149 = vector.broadcast %and3A_148 : i32 to vector<16xi32>
    %and3A_150 = arith.andi %get3A_141, %and3A_149 : vector<16xi32>
    %add3A_151 = arith.addi %shift_left3A_147, %and3A_150 : vector<16xi32>
    %get3A_152 = arith.constant 192 : index
    %get3A_153 = tpu.vector_load %arg9[%get3A_152] {strides = array<i32>} : memref<384xi32, #tpu.memory_space<vmem>>, vector<16xi32>,
    %shift_right_arithmetic3A_154 = arith.constant 7 : i32
    %shift_right_arithmetic3A_155 = vector.broadcast %shift_right_arithmetic3A_154 : i32 to vector<16xi32>
    %shift_right_arithmetic3A_156 = arith.shrsi %get3A_153, %shift_right_arithmetic3A_155 : vector<16xi32>
    %shift_left3A_157 = arith.constant 10 : i32
    %shift_left3A_158 = vector.broadcast %shift_left3A_157 : i32 to vector<16xi32>
    %shift_left3A_159 = arith.shli %shift_right_arithmetic3A_156, %shift_left3A_158 : vector<16xi32>
    %and3A_160 = arith.constant 127 : i32
    %and3A_161 = vector.broadcast %and3A_160 : i32 to vector<16xi32>
    %and3A_162 = arith.andi %get3A_153, %and3A_161 : vector<16xi32>
    %add3A_163 = arith.addi %shift_left3A_159, %and3A_162 : vector<16xi32>
    %get3A_164 = arith.constant 208 : index
    %get3A_165 = tpu.vector_load %arg9[%get3A_164] {strides = array<i32>} : memref<384xi32, #tpu.memory_space<vmem>>, vector<16xi32>,
    %shift_right_arithmetic3A_166 = arith.constant 7 : i32
    %shift_right_arithmetic3A_167 = vector.broadcast %shift_right_arithmetic3A_166 : i32 to vector<16xi32>
    %shift_right_arithmetic3A_168 = arith.shrsi %get3A_165, %shift_right_arithmetic3A_167 : vector<16xi32>
    %shift_left3A_169 = arith.constant 10 : i32
    %shift_left3A_170 = vector.broadcast %shift_left3A_169 : i32 to vector<16xi32>
    %shift_left3A_171 = arith.shli %shift_right_arithmetic3A_168, %shift_left3A_170 : vector<16xi32>
    %and3A_172 = arith.constant 127 : i32
    %and3A_173 = vector.broadcast %and3A_172 : i32 to vector<16xi32>
    %and3A_174 = arith.andi %get3A_165, %and3A_173 : vector<16xi32>
    %add3A_175 = arith.addi %shift_left3A_171, %and3A_174 : vector<16xi32>
    %get3A_176 = arith.constant 224 : index
    %get3A_177 = tpu.vector_load %arg9[%get3A_176] {strides = array<i32>} : memref<384xi32, #tpu.memory_space<vmem>>, vector<16xi32>,
    %shift_right_arithmetic3A_178 = arith.constant 7 : i32
    %shift_right_arithmetic3A_179 = vector.broadcast %shift_right_arithmetic3A_178 : i32 to vector<16xi32>
    %shift_right_arithmetic3A_180 = arith.shrsi %get3A_177, %shift_right_arithmetic3A_179 : vector<16xi32>
    %shift_left3A_181 = arith.constant 10 : i32
    %shift_left3A_182 = vector.broadcast %shift_left3A_181 : i32 to vector<16xi32>
    %shift_left3A_183 = arith.shli %shift_right_arithmetic3A_180, %shift_left3A_182 : vector<16xi32>
    %and3A_184 = arith.constant 127 : i32
    %and3A_185 = vector.broadcast %and3A_184 : i32 to vector<16xi32>
    %and3A_186 = arith.andi %get3A_177, %and3A_185 : vector<16xi32>
    %add3A_187 = arith.addi %shift_left3A_183, %and3A_186 : vector<16xi32>
    %get3A_188 = arith.constant 240 : index
    %get3A_189 = tpu.vector_load %arg9[%get3A_188] {strides = array<i32>} : memref<384xi32, #tpu.memory_space<vmem>>, vector<16xi32>,
    %shift_right_arithmetic3A_190 = arith.constant 7 : i32
    %shift_right_arithmetic3A_191 = vector.broadcast %shift_right_arithmetic3A_190 : i32 to vector<16xi32>
    %shift_right_arithmetic3A_192 = arith.shrsi %get3A_189, %shift_right_arithmetic3A_191 : vector<16xi32>
    %shift_left3A_193 = arith.constant 10 : i32
    %shift_left3A_194 = vector.broadcast %shift_left3A_193 : i32 to vector<16xi32>
    %shift_left3A_195 = arith.shli %shift_right_arithmetic3A_192, %shift_left3A_194 : vector<16xi32>
    %and3A_196 = arith.constant 127 : i32
    %and3A_197 = vector.broadcast %and3A_196 : i32 to vector<16xi32>
    %and3A_198 = arith.andi %get3A_189, %and3A_197 : vector<16xi32>
    %add3A_199 = arith.addi %shift_left3A_195, %and3A_198 : vector<16xi32>
    %get3A_200 = arith.constant 256 : index
    %get3A_201 = tpu.vector_load %arg9[%get3A_200] {strides = array<i32>} : memref<384xi32, #tpu.memory_space<vmem>>, vector<16xi32>,
    %shift_right_arithmetic3A_202 = arith.constant 7 : i32
    %shift_right_arithmetic3A_203 = vector.broadcast %shift_right_arithmetic3A_202 : i32 to vector<16xi32>
    %shift_right_arithmetic3A_204 = arith.shrsi %get3A_201, %shift_right_arithmetic3A_203 : vector<16xi32>
    %shift_left3A_205 = arith.constant 10 : i32
    %shift_left3A_206 = vector.broadcast %shift_left3A_205 : i32 to vector<16xi32>
    %shift_left3A_207 = arith.shli %shift_right_arithmetic3A_204, %shift_left3A_206 : vector<16xi32>
    %and3A_208 = arith.constant 127 : i32
    %and3A_209 = vector.broadcast %and3A_208 : i32 to vector<16xi32>
    %and3A_210 = arith.andi %get3A_201, %and3A_209 : vector<16xi32>
    %add3A_211 = arith.addi %shift_left3A_207, %and3A_210 : vector<16xi32>
    %get3A_212 = arith.constant 272 : index
    %get3A_213 = tpu.vector_load %arg9[%get3A_212] {strides = array<i32>} : memref<384xi32, #tpu.memory_space<vmem>>, vector<16xi32>,
    %shift_right_arithmetic3A_214 = arith.constant 7 : i32
    %shift_right_arithmetic3A_215 = vector.broadcast %shift_right_arithmetic3A_214 : i32 to vector<16xi32>
    %shift_right_arithmetic3A_216 = arith.shrsi %get3A_213, %shift_right_arithmetic3A_215 : vector<16xi32>
    %shift_left3A_217 = arith.constant 10 : i32
    %shift_left3A_218 = vector.broadcast %shift_left3A_217 : i32 to vector<16xi32>
    %shift_left3A_219 = arith.shli %shift_right_arithmetic3A_216, %shift_left3A_218 : vector<16xi32>
    %and3A_220 = arith.constant 127 : i32
    %and3A_221 = vector.broadcast %and3A_220 : i32 to vector<16xi32>
    %and3A_222 = arith.andi %get3A_213, %and3A_221 : vector<16xi32>
    %add3A_223 = arith.addi %shift_left3A_219, %and3A_222 : vector<16xi32>
    %get3A_224 = arith.constant 288 : index
    %get3A_225 = tpu.vector_load %arg9[%get3A_224] {strides = array<i32>} : memref<384xi32, #tpu.memory_space<vmem>>, vector<16xi32>,
    %shift_right_arithmetic3A_226 = arith.constant 7 : i32
    %shift_right_arithmetic3A_227 = vector.broadcast %shift_right_arithmetic3A_226 : i32 to vector<16xi32>
    %shift_right_arithmetic3A_228 = arith.shrsi %get3A_225, %shift_right_arithmetic3A_227 : vector<16xi32>
    %shift_left3A_229 = arith.constant 10 : i32
    %shift_left3A_230 = vector.broadcast %shift_left3A_229 : i32 to vector<16xi32>
    %shift_left3A_231 = arith.shli %shift_right_arithmetic3A_228, %shift_left3A_230 : vector<16xi32>
    %and3A_232 = arith.constant 127 : i32
    %and3A_233 = vector.broadcast %and3A_232 : i32 to vector<16xi32>
    %and3A_234 = arith.andi %get3A_225, %and3A_233 : vector<16xi32>
    %add3A_235 = arith.addi %shift_left3A_231, %and3A_234 : vector<16xi32>
    %get3A_236 = arith.constant 304 : index
    %get3A_237 = tpu.vector_load %arg9[%get3A_236] {strides = array<i32>} : memref<384xi32, #tpu.memory_space<vmem>>, vector<16xi32>,
    %shift_right_arithmetic3A_238 = arith.constant 7 : i32
    %shift_right_arithmetic3A_239 = vector.broadcast %shift_right_arithmetic3A_238 : i32 to vector<16xi32>
    %shift_right_arithmetic3A_240 = arith.shrsi %get3A_237, %shift_right_arithmetic3A_239 : vector<16xi32>
    %shift_left3A_241 = arith.constant 10 : i32
    %shift_left3A_242 = vector.broadcast %shift_left3A_241 : i32 to vector<16xi32>
    %shift_left3A_243 = arith.shli %shift_right_arithmetic3A_240, %shift_left3A_242 : vector<16xi32>
    %and3A_244 = arith.constant 127 : i32
    %and3A_245 = vector.broadcast %and3A_244 : i32 to vector<16xi32>
    %and3A_246 = arith.andi %get3A_237, %and3A_245 : vector<16xi32>
    %add3A_247 = arith.addi %shift_left3A_243, %and3A_246 : vector<16xi32>
    %get3A_248 = arith.constant 320 : index
    %get3A_249 = tpu.vector_load %arg9[%get3A_248] {strides = array<i32>} : memref<384xi32, #tpu.memory_space<vmem>>, vector<16xi32>,
    %shift_right_arithmetic3A_250 = arith.constant 7 : i32
    %shift_right_arithmetic3A_251 = vector.broadcast %shift_right_arithmetic3A_250 : i32 to vector<16xi32>
    %shift_right_arithmetic3A_252 = arith.shrsi %get3A_249, %shift_right_arithmetic3A_251 : vector<16xi32>
    %shift_left3A_253 = arith.constant 10 : i32
    %shift_left3A_254 = vector.broadcast %shift_left3A_253 : i32 to vector<16xi32>
    %shift_left3A_255 = arith.shli %shift_right_arithmetic3A_252, %shift_left3A_254 : vector<16xi32>
    %and3A_256 = arith.constant 127 : i32
    %and3A_257 = vector.broadcast %and3A_256 : i32 to vector<16xi32>
    %and3A_258 = arith.andi %get3A_249, %and3A_257 : vector<16xi32>
    %add3A_259 = arith.addi %shift_left3A_255, %and3A_258 : vector<16xi32>
    %get3A_260 = arith.constant 336 : index
    %get3A_261 = tpu.vector_load %arg9[%get3A_260] {strides = array<i32>} : memref<384xi32, #tpu.memory_space<vmem>>, vector<16xi32>,
    %shift_right_arithmetic3A_262 = arith.constant 7 : i32
    %shift_right_arithmetic3A_263 = vector.broadcast %shift_right_arithmetic3A_262 : i32 to vector<16xi32>
    %shift_right_arithmetic3A_264 = arith.shrsi %get3A_261, %shift_right_arithmetic3A_263 : vector<16xi32>
    %shift_left3A_265 = arith.constant 10 : i32
    %shift_left3A_266 = vector.broadcast %shift_left3A_265 : i32 to vector<16xi32>
    %shift_left3A_267 = arith.shli %shift_right_arithmetic3A_264, %shift_left3A_266 : vector<16xi32>
    %and3A_268 = arith.constant 127 : i32
    %and3A_269 = vector.broadcast %and3A_268 : i32 to vector<16xi32>
    %and3A_270 = arith.andi %get3A_261, %and3A_269 : vector<16xi32>
    %add3A_271 = arith.addi %shift_left3A_267, %and3A_270 : vector<16xi32>
    %get3A_272 = arith.constant 352 : index
    %get3A_273 = tpu.vector_load %arg9[%get3A_272] {strides = array<i32>} : memref<384xi32, #tpu.memory_space<vmem>>, vector<16xi32>,
    %shift_right_arithmetic3A_274 = arith.constant 7 : i32
    %shift_right_arithmetic3A_275 = vector.broadcast %shift_right_arithmetic3A_274 : i32 to vector<16xi32>
    %shift_right_arithmetic3A_276 = arith.shrsi %get3A_273, %shift_right_arithmetic3A_275 : vector<16xi32>
    %shift_left3A_277 = arith.constant 10 : i32
    %shift_left3A_278 = vector.broadcast %shift_left3A_277 : i32 to vector<16xi32>
    %shift_left3A_279 = arith.shli %shift_right_arithmetic3A_276, %shift_left3A_278 : vector<16xi32>
    %and3A_280 = arith.constant 127 : i32
    %and3A_281 = vector.broadcast %and3A_280 : i32 to vector<16xi32>
    %and3A_282 = arith.andi %get3A_273, %and3A_281 : vector<16xi32>
    %add3A_283 = arith.addi %shift_left3A_279, %and3A_282 : vector<16xi32>
    %get3A_284 = arith.constant 368 : index
    %get3A_285 = tpu.vector_load %arg9[%get3A_284] {strides = array<i32>} : memref<384xi32, #tpu.memory_space<vmem>>, vector<16xi32>,
    %shift_right_arithmetic3A_286 = arith.constant 7 : i32
    %shift_right_arithmetic3A_287 = vector.broadcast %shift_right_arithmetic3A_286 : i32 to vector<16xi32>
    %shift_right_arithmetic3A_288 = arith.shrsi %get3A_285, %shift_right_arithmetic3A_287 : vector<16xi32>
    %shift_left3A_289 = arith.constant 10 : i32
    %shift_left3A_290 = vector.broadcast %shift_left3A_289 : i32 to vector<16xi32>
    %shift_left3A_291 = arith.shli %shift_right_arithmetic3A_288, %shift_left3A_290 : vector<16xi32>
    %and3A_292 = arith.constant 127 : i32
    %and3A_293 = vector.broadcast %and3A_292 : i32 to vector<16xi32>
    %and3A_294 = arith.andi %get3A_285, %and3A_293 : vector<16xi32>
    %add3A_295 = arith.addi %shift_left3A_291, %and3A_294 : vector<16xi32>
    %scan3A = arith.constant 0 : i32
    %scan3A_296 = arith.constant 8 : i32
    %scan3A_297 = arith.addi %scan3A, %scan3A_296 : i32
    %scan3A_298 = arith.constant 1 : i32
    scf.for %scan3A_307 = %scan3A to %scan3A_297 step %scan3A_298  : i32 {
      %mul3A_308 = arith.constant 2 : i32
      %mul3A_309 = arith.muli %scan3A_307, %mul3A_308 : i32
      %add3A_310 = arith.constant 0 : i32
      %add3A_311 = arith.addi %add3A_310, %mul3A_309 : i32
      %add3A_312 = arith.constant 0 : i32
      %add3A_313 = arith.addi %add3A_311, %add3A_312 : i32
      %ge3A = arith.constant 2 : i32
      %ge3A_314 = arith.cmpi sge, %add3A_313, %ge3A : i32
      %convert_element_type3A = arith.extui %ge3A_314 : i1 to i32
      %cond3A = arith.constant 0 : i32
      %cond3A_315 = arith.cmpi ne, %convert_element_type3A, %cond3A : i32
      scf.if %cond3A_315 {
        %sub3A = arith.constant 2 : i32
        %sub3A_357 = arith.subi %add3A_313, %sub3A : i32
        %mul3A_358 = arith.constant 24576 : i32
        %mul3A_359 = arith.muli %sub3A_357, %mul3A_358 : i32
        %add3A_360 = arith.addi %mul3A_4, %mul3A_359 : i32
        %dma_wait3A_361 = tpu.memref_slice %arg4[%add3A_360] : memref<12582912xf32, #tpu.memory_space<hbm>> -> memref<24576xf32, #tpu.memory_space<hbm>>
        %dma_wait3A_362 = tpu.memref_slice %arg4[%add3A_360] : memref<12582912xf32, #tpu.memory_space<hbm>> -> memref<24576xf32, #tpu.memory_space<hbm>>
        tpu.wait_dma2 semaphore(%arg12 : memref<!tpu.dma_semaphore, #tpu.memory_space<semaphore_mem>>) src(%arg7 : memref<24576xf32, #tpu.memory_space<vmem>>) dst(%dma_wait3A_362 : memref<24576xf32, #tpu.memory_space<hbm>>)
      } else {
      }
      %mul3A_316 = arith.constant 24576 : i32
      %mul3A_317 = arith.muli %add3A_313, %mul3A_316 : i32
      %add3A_318 = arith.addi %mul3A_4, %mul3A_317 : i32
      %dma_wait3A_319 = tpu.memref_slice %arg2[%add3A_318] : memref<12582912xf32, #tpu.memory_space<hbm>> -> memref<24576xf32, #tpu.memory_space<hbm>>
      %dma_wait3A_320 = tpu.memref_slice %arg2[%add3A_318] : memref<12582912xf32, #tpu.memory_space<hbm>> -> memref<24576xf32, #tpu.memory_space<hbm>>
      tpu.wait_dma2 semaphore(%arg10 : memref<!tpu.dma_semaphore, #tpu.memory_space<semaphore_mem>>) src(%dma_wait3A_320 : memref<24576xf32, #tpu.memory_space<hbm>>) dst(%arg5 : memref<24576xf32, #tpu.memory_space<vmem>>)
      %parallel_loop3A = arith.constant 0 : i32
      %parallel_loop3A_321 = arith.constant 64 : i32
      %parallel_loop3A_322 = arith.constant 1 : i32
      scf.for %parallel_loop3A_357 = %parallel_loop3A to %parallel_loop3A_321 step %parallel_loop3A_322  : i32 {
        %parallel_loop3A_358 = arith.constant 3 : i32
        %parallel_loop3A_359 = arith.shrsi %parallel_loop3A_357, %parallel_loop3A_358 : i32
        %parallel_loop3A_360 = arith.constant 3072 : i32
        %parallel_loop3A_361 = arith.muli %parallel_loop3A_359, %parallel_loop3A_360 : i32
        %parallel_loop3A_362 = arith.constant 7 : i32
        %parallel_loop3A_363 = arith.andi %parallel_loop3A_357, %parallel_loop3A_362 : i32
        %parallel_loop3A_364 = arith.constant 128 : i32
        %parallel_loop3A_365 = arith.muli %parallel_loop3A_363, %parallel_loop3A_364 : i32
        %parallel_loop3A_366 = arith.addi %parallel_loop3A_361, %parallel_loop3A_365 : i32
        %parallel_loop3A_367 = tpu.memref_slice %arg5[%parallel_loop3A_366] : memref<24576xf32, #tpu.memory_space<vmem>> -> memref<2176xf32, #tpu.memory_space<vmem>>
        %parallel_loop3A_368 = tpu.vector_load_idx %parallel_loop3A_367[%add3A_19] : memref<2176xf32, #tpu.memory_space<vmem>>[vector<16xi32>], vector<16xf32>,
        %parallel_loop3A_369 = tpu.memref_slice %arg7[%parallel_loop3A_366] : memref<24576xf32, #tpu.memory_space<vmem>> -> memref<2176xf32, #tpu.memory_space<vmem>>
        %parallel_loop3A_370 = arith.constant 0 : index
        %parallel_loop3A_371 = tpu.vector_load %parallel_loop3A_369[%parallel_loop3A_370] {strides = array<i32>} : memref<2176xf32, #tpu.memory_space<vmem>>, vector<16xf32>,
        tpu.vector_store %parallel_loop3A_369[%parallel_loop3A_370], %parallel_loop3A_368 {strides = array<i32>} : memref<2176xf32, #tpu.memory_space<vmem>>, vector<16xf32>,
        %parallel_loop3A_372 = tpu.memref_slice %arg5[%parallel_loop3A_366] : memref<24576xf32, #tpu.memory_space<vmem>> -> memref<2176xf32, #tpu.memory_space<vmem>>
        %parallel_loop3A_373 = tpu.vector_load_idx %parallel_loop3A_372[%add3A_31] : memref<2176xf32, #tpu.memory_space<vmem>>[vector<16xi32>], vector<16xf32>,
        %parallel_loop3A_374 = tpu.memref_slice %arg7[%parallel_loop3A_366] : memref<24576xf32, #tpu.memory_space<vmem>> -> memref<2176xf32, #tpu.memory_space<vmem>>
        %parallel_loop3A_375 = arith.constant 16 : index
        %parallel_loop3A_376 = tpu.vector_load %parallel_loop3A_374[%parallel_loop3A_375] {strides = array<i32>} : memref<2176xf32, #tpu.memory_space<vmem>>, vector<16xf32>,
        tpu.vector_store %parallel_loop3A_374[%parallel_loop3A_375], %parallel_loop3A_373 {strides = array<i32>} : memref<2176xf32, #tpu.memory_space<vmem>>, vector<16xf32>,
        %parallel_loop3A_377 = tpu.memref_slice %arg5[%parallel_loop3A_366] : memref<24576xf32, #tpu.memory_space<vmem>> -> memref<2176xf32, #tpu.memory_space<vmem>>
        %parallel_loop3A_378 = tpu.vector_load_idx %parallel_loop3A_377[%add3A_43] : memref<2176xf32, #tpu.memory_space<vmem>>[vector<16xi32>], vector<16xf32>,
        %parallel_loop3A_379 = tpu.memref_slice %arg7[%parallel_loop3A_366] : memref<24576xf32, #tpu.memory_space<vmem>> -> memref<2176xf32, #tpu.memory_space<vmem>>
        %parallel_loop3A_380 = arith.constant 32 : index
        %parallel_loop3A_381 = tpu.vector_load %parallel_loop3A_379[%parallel_loop3A_380] {strides = array<i32>} : memref<2176xf32, #tpu.memory_space<vmem>>, vector<16xf32>,
        tpu.vector_store %parallel_loop3A_379[%parallel_loop3A_380], %parallel_loop3A_378 {strides = array<i32>} : memref<2176xf32, #tpu.memory_space<vmem>>, vector<16xf32>,
        %parallel_loop3A_382 = tpu.memref_slice %arg5[%parallel_loop3A_366] : memref<24576xf32, #tpu.memory_space<vmem>> -> memref<2176xf32, #tpu.memory_space<vmem>>
        %parallel_loop3A_383 = tpu.vector_load_idx %parallel_loop3A_382[%add3A_55] : memref<2176xf32, #tpu.memory_space<vmem>>[vector<16xi32>], vector<16xf32>,
        %parallel_loop3A_384 = tpu.memref_slice %arg7[%parallel_loop3A_366] : memref<24576xf32, #tpu.memory_space<vmem>> -> memref<2176xf32, #tpu.memory_space<vmem>>
        %parallel_loop3A_385 = arith.constant 48 : index
        %parallel_loop3A_386 = tpu.vector_load %parallel_loop3A_384[%parallel_loop3A_385] {strides = array<i32>} : memref<2176xf32, #tpu.memory_space<vmem>>, vector<16xf32>,
        tpu.vector_store %parallel_loop3A_384[%parallel_loop3A_385], %parallel_loop3A_383 {strides = array<i32>} : memref<2176xf32, #tpu.memory_space<vmem>>, vector<16xf32>,
        %parallel_loop3A_387 = tpu.memref_slice %arg5[%parallel_loop3A_366] : memref<24576xf32, #tpu.memory_space<vmem>> -> memref<2176xf32, #tpu.memory_space<vmem>>
        %parallel_loop3A_388 = tpu.vector_load_idx %parallel_loop3A_387[%add3A_67] : memref<2176xf32, #tpu.memory_space<vmem>>[vector<16xi32>], vector<16xf32>,
        %parallel_loop3A_389 = tpu.memref_slice %arg7[%parallel_loop3A_366] : memref<24576xf32, #tpu.memory_space<vmem>> -> memref<2176xf32, #tpu.memory_space<vmem>>
        %parallel_loop3A_390 = arith.constant 64 : index
        %parallel_loop3A_391 = tpu.vector_load %parallel_loop3A_389[%parallel_loop3A_390] {strides = array<i32>} : memref<2176xf32, #tpu.memory_space<vmem>>, vector<16xf32>,
        tpu.vector_store %parallel_loop3A_389[%parallel_loop3A_390], %parallel_loop3A_388 {strides = array<i32>} : memref<2176xf32, #tpu.memory_space<vmem>>, vector<16xf32>,
        %parallel_loop3A_392 = tpu.memref_slice %arg5[%parallel_loop3A_366] : memref<24576xf32, #tpu.memory_space<vmem>> -> memref<2176xf32, #tpu.memory_space<vmem>>
        %parallel_loop3A_393 = tpu.vector_load_idx %parallel_loop3A_392[%add3A_79] : memref<2176xf32, #tpu.memory_space<vmem>>[vector<16xi32>], vector<16xf32>,
        %parallel_loop3A_394 = tpu.memref_slice %arg7[%parallel_loop3A_366] : memref<24576xf32, #tpu.memory_space<vmem>> -> memref<2176xf32, #tpu.memory_space<vmem>>
        %parallel_loop3A_395 = arith.constant 80 : index
        %parallel_loop3A_396 = tpu.vector_load %parallel_loop3A_394[%parallel_loop3A_395] {strides = array<i32>} : memref<2176xf32, #tpu.memory_space<vmem>>, vector<16xf32>,
        tpu.vector_store %parallel_loop3A_394[%parallel_loop3A_395], %parallel_loop3A_393 {strides = array<i32>} : memref<2176xf32, #tpu.memory_space<vmem>>, vector<16xf32>,
        %parallel_loop3A_397 = tpu.memref_slice %arg5[%parallel_loop3A_366] : memref<24576xf32, #tpu.memory_space<vmem>> -> memref<2176xf32, #tpu.memory_space<vmem>>
        %parallel_loop3A_398 = tpu.vector_load_idx %parallel_loop3A_397[%add3A_91] : memref<2176xf32, #tpu.memory_space<vmem>>[vector<16xi32>], vector<16xf32>,
        %parallel_loop3A_399 = tpu.memref_slice %arg7[%parallel_loop3A_366] : memref<24576xf32, #tpu.memory_space<vmem>> -> memref<2176xf32, #tpu.memory_space<vmem>>
        %parallel_loop3A_400 = arith.constant 96 : index
        %parallel_loop3A_401 = tpu.vector_load %parallel_loop3A_399[%parallel_loop3A_400] {strides = array<i32>} : memref<2176xf32, #tpu.memory_space<vmem>>, vector<16xf32>,
        tpu.vector_store %parallel_loop3A_399[%parallel_loop3A_400], %parallel_loop3A_398 {strides = array<i32>} : memref<2176xf32, #tpu.memory_space<vmem>>, vector<16xf32>,
        %parallel_loop3A_402 = tpu.memref_slice %arg5[%parallel_loop3A_366] : memref<24576xf32, #tpu.memory_space<vmem>> -> memref<2176xf32, #tpu.memory_space<vmem>>
        %parallel_loop3A_403 = tpu.vector_load_idx %parallel_loop3A_402[%add3A_103] : memref<2176xf32, #tpu.memory_space<vmem>>[vector<16xi32>], vector<16xf32>,
        %parallel_loop3A_404 = tpu.memref_slice %arg7[%parallel_loop3A_366] : memref<24576xf32, #tpu.memory_space<vmem>> -> memref<2176xf32, #tpu.memory_space<vmem>>
        %parallel_loop3A_405 = arith.constant 112 : index
        %parallel_loop3A_406 = tpu.vector_load %parallel_loop3A_404[%parallel_loop3A_405] {strides = array<i32>} : memref<2176xf32, #tpu.memory_space<vmem>>, vector<16xf32>,
        tpu.vector_store %parallel_loop3A_404[%parallel_loop3A_405], %parallel_loop3A_403 {strides = array<i32>} : memref<2176xf32, #tpu.memory_space<vmem>>, vector<16xf32>,
        %parallel_loop3A_407 = tpu.memref_slice %arg5[%parallel_loop3A_366] : memref<24576xf32, #tpu.memory_space<vmem>> -> memref<2176xf32, #tpu.memory_space<vmem>>
        %parallel_loop3A_408 = tpu.vector_load_idx %parallel_loop3A_407[%add3A_115] : memref<2176xf32, #tpu.memory_space<vmem>>[vector<16xi32>], vector<16xf32>,
        %parallel_loop3A_409 = tpu.memref_slice %arg7[%parallel_loop3A_366] : memref<24576xf32, #tpu.memory_space<vmem>> -> memref<2176xf32, #tpu.memory_space<vmem>>
        %parallel_loop3A_410 = arith.constant 1024 : index
        %parallel_loop3A_411 = tpu.vector_load %parallel_loop3A_409[%parallel_loop3A_410] {strides = array<i32>} : memref<2176xf32, #tpu.memory_space<vmem>>, vector<16xf32>,
        tpu.vector_store %parallel_loop3A_409[%parallel_loop3A_410], %parallel_loop3A_408 {strides = array<i32>} : memref<2176xf32, #tpu.memory_space<vmem>>, vector<16xf32>,
        %parallel_loop3A_412 = tpu.memref_slice %arg5[%parallel_loop3A_366] : memref<24576xf32, #tpu.memory_space<vmem>> -> memref<2176xf32, #tpu.memory_space<vmem>>
        %parallel_loop3A_413 = tpu.vector_load_idx %parallel_loop3A_412[%add3A_127] : memref<2176xf32, #tpu.memory_space<vmem>>[vector<16xi32>], vector<16xf32>,
        %parallel_loop3A_414 = tpu.memref_slice %arg7[%parallel_loop3A_366] : memref<24576xf32, #tpu.memory_space<vmem>> -> memref<2176xf32, #tpu.memory_space<vmem>>
        %parallel_loop3A_415 = arith.constant 1040 : index
        %parallel_loop3A_416 = tpu.vector_load %parallel_loop3A_414[%parallel_loop3A_415] {strides = array<i32>} : memref<2176xf32, #tpu.memory_space<vmem>>, vector<16xf32>,
        tpu.vector_store %parallel_loop3A_414[%parallel_loop3A_415], %parallel_loop3A_413 {strides = array<i32>} : memref<2176xf32, #tpu.memory_space<vmem>>, vector<16xf32>,
        %parallel_loop3A_417 = tpu.memref_slice %arg5[%parallel_loop3A_366] : memref<24576xf32, #tpu.memory_space<vmem>> -> memref<2176xf32, #tpu.memory_space<vmem>>
        %parallel_loop3A_418 = tpu.vector_load_idx %parallel_loop3A_417[%add3A_139] : memref<2176xf32, #tpu.memory_space<vmem>>[vector<16xi32>], vector<16xf32>,
        %parallel_loop3A_419 = tpu.memref_slice %arg7[%parallel_loop3A_366] : memref<24576xf32, #tpu.memory_space<vmem>> -> memref<2176xf32, #tpu.memory_space<vmem>>
        %parallel_loop3A_420 = arith.constant 1056 : index
        %parallel_loop3A_421 = tpu.vector_load %parallel_loop3A_419[%parallel_loop3A_420] {strides = array<i32>} : memref<2176xf32, #tpu.memory_space<vmem>>, vector<16xf32>,
        tpu.vector_store %parallel_loop3A_419[%parallel_loop3A_420], %parallel_loop3A_418 {strides = array<i32>} : memref<2176xf32, #tpu.memory_space<vmem>>, vector<16xf32>,
        %parallel_loop3A_422 = tpu.memref_slice %arg5[%parallel_loop3A_366] : memref<24576xf32, #tpu.memory_space<vmem>> -> memref<2176xf32, #tpu.memory_space<vmem>>
        %parallel_loop3A_423 = tpu.vector_load_idx %parallel_loop3A_422[%add3A_151] : memref<2176xf32, #tpu.memory_space<vmem>>[vector<16xi32>], vector<16xf32>,
        %parallel_loop3A_424 = tpu.memref_slice %arg7[%parallel_loop3A_366] : memref<24576xf32, #tpu.memory_space<vmem>> -> memref<2176xf32, #tpu.memory_space<vmem>>
        %parallel_loop3A_425 = arith.constant 1072 : index
        %parallel_loop3A_426 = tpu.vector_load %parallel_loop3A_424[%parallel_loop3A_425] {strides = array<i32>} : memref<2176xf32, #tpu.memory_space<vmem>>, vector<16xf32>,
        tpu.vector_store %parallel_loop3A_424[%parallel_loop3A_425], %parallel_loop3A_423 {strides = array<i32>} : memref<2176xf32, #tpu.memory_space<vmem>>, vector<16xf32>,
        %parallel_loop3A_427 = tpu.memref_slice %arg5[%parallel_loop3A_366] : memref<24576xf32, #tpu.memory_space<vmem>> -> memref<2176xf32, #tpu.memory_space<vmem>>
        %parallel_loop3A_428 = tpu.vector_load_idx %parallel_loop3A_427[%add3A_163] : memref<2176xf32, #tpu.memory_space<vmem>>[vector<16xi32>], vector<16xf32>,
        %parallel_loop3A_429 = tpu.memref_slice %arg7[%parallel_loop3A_366] : memref<24576xf32, #tpu.memory_space<vmem>> -> memref<2176xf32, #tpu.memory_space<vmem>>
        %parallel_loop3A_430 = arith.constant 1088 : index
        %parallel_loop3A_431 = tpu.vector_load %parallel_loop3A_429[%parallel_loop3A_430] {strides = array<i32>} : memref<2176xf32, #tpu.memory_space<vmem>>, vector<16xf32>,
        tpu.vector_store %parallel_loop3A_429[%parallel_loop3A_430], %parallel_loop3A_428 {strides = array<i32>} : memref<2176xf32, #tpu.memory_space<vmem>>, vector<16xf32>,
        %parallel_loop3A_432 = tpu.memref_slice %arg5[%parallel_loop3A_366] : memref<24576xf32, #tpu.memory_space<vmem>> -> memref<2176xf32, #tpu.memory_space<vmem>>
        %parallel_loop3A_433 = tpu.vector_load_idx %parallel_loop3A_432[%add3A_175] : memref<2176xf32, #tpu.memory_space<vmem>>[vector<16xi32>], vector<16xf32>,
        %parallel_loop3A_434 = tpu.memref_slice %arg7[%parallel_loop3A_366] : memref<24576xf32, #tpu.memory_space<vmem>> -> memref<2176xf32, #tpu.memory_space<vmem>>
        %parallel_loop3A_435 = arith.constant 1104 : index
        %parallel_loop3A_436 = tpu.vector_load %parallel_loop3A_434[%parallel_loop3A_435] {strides = array<i32>} : memref<2176xf32, #tpu.memory_space<vmem>>, vector<16xf32>,
        tpu.vector_store %parallel_loop3A_434[%parallel_loop3A_435], %parallel_loop3A_433 {strides = array<i32>} : memref<2176xf32, #tpu.memory_space<vmem>>, vector<16xf32>,
        %parallel_loop3A_437 = tpu.memref_slice %arg5[%parallel_loop3A_366] : memref<24576xf32, #tpu.memory_space<vmem>> -> memref<2176xf32, #tpu.memory_space<vmem>>
        %parallel_loop3A_438 = tpu.vector_load_idx %parallel_loop3A_437[%add3A_187] : memref<2176xf32, #tpu.memory_space<vmem>>[vector<16xi32>], vector<16xf32>,
        %parallel_loop3A_439 = tpu.memref_slice %arg7[%parallel_loop3A_366] : memref<24576xf32, #tpu.memory_space<vmem>> -> memref<2176xf32, #tpu.memory_space<vmem>>
        %parallel_loop3A_440 = arith.constant 1120 : index
        %parallel_loop3A_441 = tpu.vector_load %parallel_loop3A_439[%parallel_loop3A_440] {strides = array<i32>} : memref<2176xf32, #tpu.memory_space<vmem>>, vector<16xf32>,
        tpu.vector_store %parallel_loop3A_439[%parallel_loop3A_440], %parallel_loop3A_438 {strides = array<i32>} : memref<2176xf32, #tpu.memory_space<vmem>>, vector<16xf32>,
        %parallel_loop3A_442 = tpu.memref_slice %arg5[%parallel_loop3A_366] : memref<24576xf32, #tpu.memory_space<vmem>> -> memref<2176xf32, #tpu.memory_space<vmem>>
        %parallel_loop3A_443 = tpu.vector_load_idx %parallel_loop3A_442[%add3A_199] : memref<2176xf32, #tpu.memory_space<vmem>>[vector<16xi32>], vector<16xf32>,
        %parallel_loop3A_444 = tpu.memref_slice %arg7[%parallel_loop3A_366] : memref<24576xf32, #tpu.memory_space<vmem>> -> memref<2176xf32, #tpu.memory_space<vmem>>
        %parallel_loop3A_445 = arith.constant 1136 : index
        %parallel_loop3A_446 = tpu.vector_load %parallel_loop3A_444[%parallel_loop3A_445] {strides = array<i32>} : memref<2176xf32, #tpu.memory_space<vmem>>, vector<16xf32>,
        tpu.vector_store %parallel_loop3A_444[%parallel_loop3A_445], %parallel_loop3A_443 {strides = array<i32>} : memref<2176xf32, #tpu.memory_space<vmem>>, vector<16xf32>,
        %parallel_loop3A_447 = tpu.memref_slice %arg5[%parallel_loop3A_366] : memref<24576xf32, #tpu.memory_space<vmem>> -> memref<2176xf32, #tpu.memory_space<vmem>>
        %parallel_loop3A_448 = tpu.vector_load_idx %parallel_loop3A_447[%add3A_211] : memref<2176xf32, #tpu.memory_space<vmem>>[vector<16xi32>], vector<16xf32>,
        %parallel_loop3A_449 = tpu.memref_slice %arg7[%parallel_loop3A_366] : memref<24576xf32, #tpu.memory_space<vmem>> -> memref<2176xf32, #tpu.memory_space<vmem>>
        %parallel_loop3A_450 = arith.constant 2048 : index
        %parallel_loop3A_451 = tpu.vector_load %parallel_loop3A_449[%parallel_loop3A_450] {strides = array<i32>} : memref<2176xf32, #tpu.memory_space<vmem>>, vector<16xf32>,
        tpu.vector_store %parallel_loop3A_449[%parallel_loop3A_450], %parallel_loop3A_448 {strides = array<i32>} : memref<2176xf32, #tpu.memory_space<vmem>>, vector<16xf32>,
        %parallel_loop3A_452 = tpu.memref_slice %arg5[%parallel_loop3A_366] : memref<24576xf32, #tpu.memory_space<vmem>> -> memref<2176xf32, #tpu.memory_space<vmem>>
        %parallel_loop3A_453 = tpu.vector_load_idx %parallel_loop3A_452[%add3A_223] : memref<2176xf32, #tpu.memory_space<vmem>>[vector<16xi32>], vector<16xf32>,
        %parallel_loop3A_454 = tpu.memref_slice %arg7[%parallel_loop3A_366] : memref<24576xf32, #tpu.memory_space<vmem>> -> memref<2176xf32, #tpu.memory_space<vmem>>
        %parallel_loop3A_455 = arith.constant 2064 : index
        %parallel_loop3A_456 = tpu.vector_load %parallel_loop3A_454[%parallel_loop3A_455] {strides = array<i32>} : memref<2176xf32, #tpu.memory_space<vmem>>, vector<16xf32>,
        tpu.vector_store %parallel_loop3A_454[%parallel_loop3A_455], %parallel_loop3A_453 {strides = array<i32>} : memref<2176xf32, #tpu.memory_space<vmem>>, vector<16xf32>,
        %parallel_loop3A_457 = tpu.memref_slice %arg5[%parallel_loop3A_366] : memref<24576xf32, #tpu.memory_space<vmem>> -> memref<2176xf32, #tpu.memory_space<vmem>>
        %parallel_loop3A_458 = tpu.vector_load_idx %parallel_loop3A_457[%add3A_235] : memref<2176xf32, #tpu.memory_space<vmem>>[vector<16xi32>], vector<16xf32>,
        %parallel_loop3A_459 = tpu.memref_slice %arg7[%parallel_loop3A_366] : memref<24576xf32, #tpu.memory_space<vmem>> -> memref<2176xf32, #tpu.memory_space<vmem>>
        %parallel_loop3A_460 = arith.constant 2080 : index
        %parallel_loop3A_461 = tpu.vector_load %parallel_loop3A_459[%parallel_loop3A_460] {strides = array<i32>} : memref<2176xf32, #tpu.memory_space<vmem>>, vector<16xf32>,
        tpu.vector_store %parallel_loop3A_459[%parallel_loop3A_460], %parallel_loop3A_458 {strides = array<i32>} : memref<2176xf32, #tpu.memory_space<vmem>>, vector<16xf32>,
        %parallel_loop3A_462 = tpu.memref_slice %arg5[%parallel_loop3A_366] : memref<24576xf32, #tpu.memory_space<vmem>> -> memref<2176xf32, #tpu.memory_space<vmem>>
        %parallel_loop3A_463 = tpu.vector_load_idx %parallel_loop3A_462[%add3A_247] : memref<2176xf32, #tpu.memory_space<vmem>>[vector<16xi32>], vector<16xf32>,
        %parallel_loop3A_464 = tpu.memref_slice %arg7[%parallel_loop3A_366] : memref<24576xf32, #tpu.memory_space<vmem>> -> memref<2176xf32, #tpu.memory_space<vmem>>
        %parallel_loop3A_465 = arith.constant 2096 : index
        %parallel_loop3A_466 = tpu.vector_load %parallel_loop3A_464[%parallel_loop3A_465] {strides = array<i32>} : memref<2176xf32, #tpu.memory_space<vmem>>, vector<16xf32>,
        tpu.vector_store %parallel_loop3A_464[%parallel_loop3A_465], %parallel_loop3A_463 {strides = array<i32>} : memref<2176xf32, #tpu.memory_space<vmem>>, vector<16xf32>,
        %parallel_loop3A_467 = tpu.memref_slice %arg5[%parallel_loop3A_366] : memref<24576xf32, #tpu.memory_space<vmem>> -> memref<2176xf32, #tpu.memory_space<vmem>>
        %parallel_loop3A_468 = tpu.vector_load_idx %parallel_loop3A_467[%add3A_259] : memref<2176xf32, #tpu.memory_space<vmem>>[vector<16xi32>], vector<16xf32>,
        %parallel_loop3A_469 = tpu.memref_slice %arg7[%parallel_loop3A_366] : memref<24576xf32, #tpu.memory_space<vmem>> -> memref<2176xf32, #tpu.memory_space<vmem>>
        %parallel_loop3A_470 = arith.constant 2112 : index
        %parallel_loop3A_471 = tpu.vector_load %parallel_loop3A_469[%parallel_loop3A_470] {strides = array<i32>} : memref<2176xf32, #tpu.memory_space<vmem>>, vector<16xf32>,
        tpu.vector_store %parallel_loop3A_469[%parallel_loop3A_470], %parallel_loop3A_468 {strides = array<i32>} : memref<2176xf32, #tpu.memory_space<vmem>>, vector<16xf32>,
        %parallel_loop3A_472 = tpu.memref_slice %arg5[%parallel_loop3A_366] : memref<24576xf32, #tpu.memory_space<vmem>> -> memref<2176xf32, #tpu.memory_space<vmem>>
        %parallel_loop3A_473 = tpu.vector_load_idx %parallel_loop3A_472[%add3A_271] : memref<2176xf32, #tpu.memory_space<vmem>>[vector<16xi32>], vector<16xf32>,
        %parallel_loop3A_474 = tpu.memref_slice %arg7[%parallel_loop3A_366] : memref<24576xf32, #tpu.memory_space<vmem>> -> memref<2176xf32, #tpu.memory_space<vmem>>
        %parallel_loop3A_475 = arith.constant 2128 : index
        %parallel_loop3A_476 = tpu.vector_load %parallel_loop3A_474[%parallel_loop3A_475] {strides = array<i32>} : memref<2176xf32, #tpu.memory_space<vmem>>, vector<16xf32>,
        tpu.vector_store %parallel_loop3A_474[%parallel_loop3A_475], %parallel_loop3A_473 {strides = array<i32>} : memref<2176xf32, #tpu.memory_space<vmem>>, vector<16xf32>,
        %parallel_loop3A_477 = tpu.memref_slice %arg5[%parallel_loop3A_366] : memref<24576xf32, #tpu.memory_space<vmem>> -> memref<2176xf32, #tpu.memory_space<vmem>>
        %parallel_loop3A_478 = tpu.vector_load_idx %parallel_loop3A_477[%add3A_283] : memref<2176xf32, #tpu.memory_space<vmem>>[vector<16xi32>], vector<16xf32>,
        %parallel_loop3A_479 = tpu.memref_slice %arg7[%parallel_loop3A_366] : memref<24576xf32, #tpu.memory_space<vmem>> -> memref<2176xf32, #tpu.memory_space<vmem>>
        %parallel_loop3A_480 = arith.constant 2144 : index
        %parallel_loop3A_481 = tpu.vector_load %parallel_loop3A_479[%parallel_loop3A_480] {strides = array<i32>} : memref<2176xf32, #tpu.memory_space<vmem>>, vector<16xf32>,
        tpu.vector_store %parallel_loop3A_479[%parallel_loop3A_480], %parallel_loop3A_478 {strides = array<i32>} : memref<2176xf32, #tpu.memory_space<vmem>>, vector<16xf32>,
        %parallel_loop3A_482 = tpu.memref_slice %arg5[%parallel_loop3A_366] : memref<24576xf32, #tpu.memory_space<vmem>> -> memref<2176xf32, #tpu.memory_space<vmem>>
        %parallel_loop3A_483 = tpu.vector_load_idx %parallel_loop3A_482[%add3A_295] : memref<2176xf32, #tpu.memory_space<vmem>>[vector<16xi32>], vector<16xf32>,
        %parallel_loop3A_484 = tpu.memref_slice %arg7[%parallel_loop3A_366] : memref<24576xf32, #tpu.memory_space<vmem>> -> memref<2176xf32, #tpu.memory_space<vmem>>
        %parallel_loop3A_485 = arith.constant 2160 : index
        %parallel_loop3A_486 = tpu.vector_load %parallel_loop3A_484[%parallel_loop3A_485] {strides = array<i32>} : memref<2176xf32, #tpu.memory_space<vmem>>, vector<16xf32>,
        tpu.vector_store %parallel_loop3A_484[%parallel_loop3A_485], %parallel_loop3A_483 {strides = array<i32>} : memref<2176xf32, #tpu.memory_space<vmem>>, vector<16xf32>,
      } {sc.loop_unroll_factor = 4 : i64, sc.parallel_access}
      %mul3A_323 = arith.constant 24576 : i32
      %mul3A_324 = arith.muli %add3A_313, %mul3A_323 : i32
      %add3A_325 = arith.addi %mul3A_4, %mul3A_324 : i32
      %dma_start3A_326 = tpu.memref_slice %arg4[%add3A_325] : memref<12582912xf32, #tpu.memory_space<hbm>> -> memref<24576xf32, #tpu.memory_space<hbm>>
      %dma_start3A_327 = tpu.memref_slice %arg4[%add3A_325] : memref<12582912xf32, #tpu.memory_space<hbm>> -> memref<24576xf32, #tpu.memory_space<hbm>>
      tpu.enqueue_dma source(%arg7 : memref<24576xf32, #tpu.memory_space<vmem>>) target(%dma_start3A_327 : memref<24576xf32, #tpu.memory_space<hbm>>) target_semaphore(%arg12 : memref<!tpu.dma_semaphore, #tpu.memory_space<semaphore_mem>>)
      %lt3A = arith.constant 14 : i32
      %lt3A_328 = arith.cmpi slt, %add3A_313, %lt3A : i32
      %convert_element_type3A_329 = arith.extui %lt3A_328 : i1 to i32
      %cond3A_330 = arith.constant 0 : i32
      %cond3A_331 = arith.cmpi ne, %convert_element_type3A_329, %cond3A_330 : i32
      scf.if %cond3A_331 {
        %add3A_357 = arith.constant 2 : i32
        %add3A_358 = arith.addi %add3A_313, %add3A_357 : i32
        %mul3A_359 = arith.constant 24576 : i32
        %mul3A_360 = arith.muli %add3A_358, %mul3A_359 : i32
        %add3A_361 = arith.addi %mul3A_4, %mul3A_360 : i32
        %dma_start3A_362 = tpu.memref_slice %arg2[%add3A_361] : memref<12582912xf32, #tpu.memory_space<hbm>> -> memref<24576xf32, #tpu.memory_space<hbm>>
        %dma_start3A_363 = tpu.memref_slice %arg2[%add3A_361] : memref<12582912xf32, #tpu.memory_space<hbm>> -> memref<24576xf32, #tpu.memory_space<hbm>>
        tpu.enqueue_dma source(%dma_start3A_363 : memref<24576xf32, #tpu.memory_space<hbm>>) target(%arg5 : memref<24576xf32, #tpu.memory_space<vmem>>) target_semaphore(%arg10 : memref<!tpu.dma_semaphore, #tpu.memory_space<semaphore_mem>>)
      } else {
      }
      %add3A_332 = arith.constant 1 : i32
      %add3A_333 = arith.addi %add3A_311, %add3A_332 : i32
      %ge3A_334 = arith.constant 2 : i32
      %ge3A_335 = arith.cmpi sge, %add3A_333, %ge3A_334 : i32
      %convert_element_type3A_336 = arith.extui %ge3A_335 : i1 to i32
      %cond3A_337 = arith.constant 0 : i32
      %cond3A_338 = arith.cmpi ne, %convert_element_type3A_336, %cond3A_337 : i32
      scf.if %cond3A_338 {
        %sub3A = arith.constant 2 : i32
        %sub3A_357 = arith.subi %add3A_333, %sub3A : i32
        %mul3A_358 = arith.constant 24576 : i32
        %mul3A_359 = arith.muli %sub3A_357, %mul3A_358 : i32
        %add3A_360 = arith.addi %mul3A_4, %mul3A_359 : i32
        %dma_wait3A_361 = tpu.memref_slice %arg4[%add3A_360] : memref<12582912xf32, #tpu.memory_space<hbm>> -> memref<24576xf32, #tpu.memory_space<hbm>>
        %dma_wait3A_362 = tpu.memref_slice %arg4[%add3A_360] : memref<12582912xf32, #tpu.memory_space<hbm>> -> memref<24576xf32, #tpu.memory_space<hbm>>
        tpu.wait_dma2 semaphore(%arg13 : memref<!tpu.dma_semaphore, #tpu.memory_space<semaphore_mem>>) src(%arg8 : memref<24576xf32, #tpu.memory_space<vmem>>) dst(%dma_wait3A_362 : memref<24576xf32, #tpu.memory_space<hbm>>)
      } else {
      }
      %mul3A_339 = arith.constant 24576 : i32
      %mul3A_340 = arith.muli %add3A_333, %mul3A_339 : i32
      %add3A_341 = arith.addi %mul3A_4, %mul3A_340 : i32
      %dma_wait3A_342 = tpu.memref_slice %arg2[%add3A_341] : memref<12582912xf32, #tpu.memory_space<hbm>> -> memref<24576xf32, #tpu.memory_space<hbm>>
      %dma_wait3A_343 = tpu.memref_slice %arg2[%add3A_341] : memref<12582912xf32, #tpu.memory_space<hbm>> -> memref<24576xf32, #tpu.memory_space<hbm>>
      tpu.wait_dma2 semaphore(%arg11 : memref<!tpu.dma_semaphore, #tpu.memory_space<semaphore_mem>>) src(%dma_wait3A_343 : memref<24576xf32, #tpu.memory_space<hbm>>) dst(%arg6 : memref<24576xf32, #tpu.memory_space<vmem>>)
      %parallel_loop3A_344 = arith.constant 0 : i32
      %parallel_loop3A_345 = arith.constant 64 : i32
      %parallel_loop3A_346 = arith.constant 1 : i32
      scf.for %parallel_loop3A_357 = %parallel_loop3A_344 to %parallel_loop3A_345 step %parallel_loop3A_346  : i32 {
        %parallel_loop3A_358 = arith.constant 3 : i32
        %parallel_loop3A_359 = arith.shrsi %parallel_loop3A_357, %parallel_loop3A_358 : i32
        %parallel_loop3A_360 = arith.constant 3072 : i32
        %parallel_loop3A_361 = arith.muli %parallel_loop3A_359, %parallel_loop3A_360 : i32
        %parallel_loop3A_362 = arith.constant 7 : i32
        %parallel_loop3A_363 = arith.andi %parallel_loop3A_357, %parallel_loop3A_362 : i32
        %parallel_loop3A_364 = arith.constant 128 : i32
        %parallel_loop3A_365 = arith.muli %parallel_loop3A_363, %parallel_loop3A_364 : i32
        %parallel_loop3A_366 = arith.addi %parallel_loop3A_361, %parallel_loop3A_365 : i32
        %parallel_loop3A_367 = tpu.memref_slice %arg6[%parallel_loop3A_366] : memref<24576xf32, #tpu.memory_space<vmem>> -> memref<2176xf32, #tpu.memory_space<vmem>>
        %parallel_loop3A_368 = tpu.vector_load_idx %parallel_loop3A_367[%add3A_19] : memref<2176xf32, #tpu.memory_space<vmem>>[vector<16xi32>], vector<16xf32>,
        %parallel_loop3A_369 = tpu.memref_slice %arg8[%parallel_loop3A_366] : memref<24576xf32, #tpu.memory_space<vmem>> -> memref<2176xf32, #tpu.memory_space<vmem>>
        %parallel_loop3A_370 = arith.constant 0 : index
        %parallel_loop3A_371 = tpu.vector_load %parallel_loop3A_369[%parallel_loop3A_370] {strides = array<i32>} : memref<2176xf32, #tpu.memory_space<vmem>>, vector<16xf32>,
        tpu.vector_store %parallel_loop3A_369[%parallel_loop3A_370], %parallel_loop3A_368 {strides = array<i32>} : memref<2176xf32, #tpu.memory_space<vmem>>, vector<16xf32>,
        %parallel_loop3A_372 = tpu.memref_slice %arg6[%parallel_loop3A_366] : memref<24576xf32, #tpu.memory_space<vmem>> -> memref<2176xf32, #tpu.memory_space<vmem>>
        %parallel_loop3A_373 = tpu.vector_load_idx %parallel_loop3A_372[%add3A_31] : memref<2176xf32, #tpu.memory_space<vmem>>[vector<16xi32>], vector<16xf32>,
        %parallel_loop3A_374 = tpu.memref_slice %arg8[%parallel_loop3A_366] : memref<24576xf32, #tpu.memory_space<vmem>> -> memref<2176xf32, #tpu.memory_space<vmem>>
        %parallel_loop3A_375 = arith.constant 16 : index
        %parallel_loop3A_376 = tpu.vector_load %parallel_loop3A_374[%parallel_loop3A_375] {strides = array<i32>} : memref<2176xf32, #tpu.memory_space<vmem>>, vector<16xf32>,
        tpu.vector_store %parallel_loop3A_374[%parallel_loop3A_375], %parallel_loop3A_373 {strides = array<i32>} : memref<2176xf32, #tpu.memory_space<vmem>>, vector<16xf32>,
        %parallel_loop3A_377 = tpu.memref_slice %arg6[%parallel_loop3A_366] : memref<24576xf32, #tpu.memory_space<vmem>> -> memref<2176xf32, #tpu.memory_space<vmem>>
        %parallel_loop3A_378 = tpu.vector_load_idx %parallel_loop3A_377[%add3A_43] : memref<2176xf32, #tpu.memory_space<vmem>>[vector<16xi32>], vector<16xf32>,
        %parallel_loop3A_379 = tpu.memref_slice %arg8[%parallel_loop3A_366] : memref<24576xf32, #tpu.memory_space<vmem>> -> memref<2176xf32, #tpu.memory_space<vmem>>
        %parallel_loop3A_380 = arith.constant 32 : index
        %parallel_loop3A_381 = tpu.vector_load %parallel_loop3A_379[%parallel_loop3A_380] {strides = array<i32>} : memref<2176xf32, #tpu.memory_space<vmem>>, vector<16xf32>,
        tpu.vector_store %parallel_loop3A_379[%parallel_loop3A_380], %parallel_loop3A_378 {strides = array<i32>} : memref<2176xf32, #tpu.memory_space<vmem>>, vector<16xf32>,
        %parallel_loop3A_382 = tpu.memref_slice %arg6[%parallel_loop3A_366] : memref<24576xf32, #tpu.memory_space<vmem>> -> memref<2176xf32, #tpu.memory_space<vmem>>
        %parallel_loop3A_383 = tpu.vector_load_idx %parallel_loop3A_382[%add3A_55] : memref<2176xf32, #tpu.memory_space<vmem>>[vector<16xi32>], vector<16xf32>,
        %parallel_loop3A_384 = tpu.memref_slice %arg8[%parallel_loop3A_366] : memref<24576xf32, #tpu.memory_space<vmem>> -> memref<2176xf32, #tpu.memory_space<vmem>>
        %parallel_loop3A_385 = arith.constant 48 : index
        %parallel_loop3A_386 = tpu.vector_load %parallel_loop3A_384[%parallel_loop3A_385] {strides = array<i32>} : memref<2176xf32, #tpu.memory_space<vmem>>, vector<16xf32>,
        tpu.vector_store %parallel_loop3A_384[%parallel_loop3A_385], %parallel_loop3A_383 {strides = array<i32>} : memref<2176xf32, #tpu.memory_space<vmem>>, vector<16xf32>,
        %parallel_loop3A_387 = tpu.memref_slice %arg6[%parallel_loop3A_366] : memref<24576xf32, #tpu.memory_space<vmem>> -> memref<2176xf32, #tpu.memory_space<vmem>>
        %parallel_loop3A_388 = tpu.vector_load_idx %parallel_loop3A_387[%add3A_67] : memref<2176xf32, #tpu.memory_space<vmem>>[vector<16xi32>], vector<16xf32>,
        %parallel_loop3A_389 = tpu.memref_slice %arg8[%parallel_loop3A_366] : memref<24576xf32, #tpu.memory_space<vmem>> -> memref<2176xf32, #tpu.memory_space<vmem>>
        %parallel_loop3A_390 = arith.constant 64 : index
        %parallel_loop3A_391 = tpu.vector_load %parallel_loop3A_389[%parallel_loop3A_390] {strides = array<i32>} : memref<2176xf32, #tpu.memory_space<vmem>>, vector<16xf32>,
        tpu.vector_store %parallel_loop3A_389[%parallel_loop3A_390], %parallel_loop3A_388 {strides = array<i32>} : memref<2176xf32, #tpu.memory_space<vmem>>, vector<16xf32>,
        %parallel_loop3A_392 = tpu.memref_slice %arg6[%parallel_loop3A_366] : memref<24576xf32, #tpu.memory_space<vmem>> -> memref<2176xf32, #tpu.memory_space<vmem>>
        %parallel_loop3A_393 = tpu.vector_load_idx %parallel_loop3A_392[%add3A_79] : memref<2176xf32, #tpu.memory_space<vmem>>[vector<16xi32>], vector<16xf32>,
        %parallel_loop3A_394 = tpu.memref_slice %arg8[%parallel_loop3A_366] : memref<24576xf32, #tpu.memory_space<vmem>> -> memref<2176xf32, #tpu.memory_space<vmem>>
        %parallel_loop3A_395 = arith.constant 80 : index
        %parallel_loop3A_396 = tpu.vector_load %parallel_loop3A_394[%parallel_loop3A_395] {strides = array<i32>} : memref<2176xf32, #tpu.memory_space<vmem>>, vector<16xf32>,
        tpu.vector_store %parallel_loop3A_394[%parallel_loop3A_395], %parallel_loop3A_393 {strides = array<i32>} : memref<2176xf32, #tpu.memory_space<vmem>>, vector<16xf32>,
        %parallel_loop3A_397 = tpu.memref_slice %arg6[%parallel_loop3A_366] : memref<24576xf32, #tpu.memory_space<vmem>> -> memref<2176xf32, #tpu.memory_space<vmem>>
        %parallel_loop3A_398 = tpu.vector_load_idx %parallel_loop3A_397[%add3A_91] : memref<2176xf32, #tpu.memory_space<vmem>>[vector<16xi32>], vector<16xf32>,
        %parallel_loop3A_399 = tpu.memref_slice %arg8[%parallel_loop3A_366] : memref<24576xf32, #tpu.memory_space<vmem>> -> memref<2176xf32, #tpu.memory_space<vmem>>
        %parallel_loop3A_400 = arith.constant 96 : index
        %parallel_loop3A_401 = tpu.vector_load %parallel_loop3A_399[%parallel_loop3A_400] {strides = array<i32>} : memref<2176xf32, #tpu.memory_space<vmem>>, vector<16xf32>,
        tpu.vector_store %parallel_loop3A_399[%parallel_loop3A_400], %parallel_loop3A_398 {strides = array<i32>} : memref<2176xf32, #tpu.memory_space<vmem>>, vector<16xf32>,
        %parallel_loop3A_402 = tpu.memref_slice %arg6[%parallel_loop3A_366] : memref<24576xf32, #tpu.memory_space<vmem>> -> memref<2176xf32, #tpu.memory_space<vmem>>
        %parallel_loop3A_403 = tpu.vector_load_idx %parallel_loop3A_402[%add3A_103] : memref<2176xf32, #tpu.memory_space<vmem>>[vector<16xi32>], vector<16xf32>,
        %parallel_loop3A_404 = tpu.memref_slice %arg8[%parallel_loop3A_366] : memref<24576xf32, #tpu.memory_space<vmem>> -> memref<2176xf32, #tpu.memory_space<vmem>>
        %parallel_loop3A_405 = arith.constant 112 : index
        %parallel_loop3A_406 = tpu.vector_load %parallel_loop3A_404[%parallel_loop3A_405] {strides = array<i32>} : memref<2176xf32, #tpu.memory_space<vmem>>, vector<16xf32>,
        tpu.vector_store %parallel_loop3A_404[%parallel_loop3A_405], %parallel_loop3A_403 {strides = array<i32>} : memref<2176xf32, #tpu.memory_space<vmem>>, vector<16xf32>,
        %parallel_loop3A_407 = tpu.memref_slice %arg6[%parallel_loop3A_366] : memref<24576xf32, #tpu.memory_space<vmem>> -> memref<2176xf32, #tpu.memory_space<vmem>>
        %parallel_loop3A_408 = tpu.vector_load_idx %parallel_loop3A_407[%add3A_115] : memref<2176xf32, #tpu.memory_space<vmem>>[vector<16xi32>], vector<16xf32>,
        %parallel_loop3A_409 = tpu.memref_slice %arg8[%parallel_loop3A_366] : memref<24576xf32, #tpu.memory_space<vmem>> -> memref<2176xf32, #tpu.memory_space<vmem>>
        %parallel_loop3A_410 = arith.constant 1024 : index
        %parallel_loop3A_411 = tpu.vector_load %parallel_loop3A_409[%parallel_loop3A_410] {strides = array<i32>} : memref<2176xf32, #tpu.memory_space<vmem>>, vector<16xf32>,
        tpu.vector_store %parallel_loop3A_409[%parallel_loop3A_410], %parallel_loop3A_408 {strides = array<i32>} : memref<2176xf32, #tpu.memory_space<vmem>>, vector<16xf32>,
        %parallel_loop3A_412 = tpu.memref_slice %arg6[%parallel_loop3A_366] : memref<24576xf32, #tpu.memory_space<vmem>> -> memref<2176xf32, #tpu.memory_space<vmem>>
        %parallel_loop3A_413 = tpu.vector_load_idx %parallel_loop3A_412[%add3A_127] : memref<2176xf32, #tpu.memory_space<vmem>>[vector<16xi32>], vector<16xf32>,
        %parallel_loop3A_414 = tpu.memref_slice %arg8[%parallel_loop3A_366] : memref<24576xf32, #tpu.memory_space<vmem>> -> memref<2176xf32, #tpu.memory_space<vmem>>
        %parallel_loop3A_415 = arith.constant 1040 : index
        %parallel_loop3A_416 = tpu.vector_load %parallel_loop3A_414[%parallel_loop3A_415] {strides = array<i32>} : memref<2176xf32, #tpu.memory_space<vmem>>, vector<16xf32>,
        tpu.vector_store %parallel_loop3A_414[%parallel_loop3A_415], %parallel_loop3A_413 {strides = array<i32>} : memref<2176xf32, #tpu.memory_space<vmem>>, vector<16xf32>,
        %parallel_loop3A_417 = tpu.memref_slice %arg6[%parallel_loop3A_366] : memref<24576xf32, #tpu.memory_space<vmem>> -> memref<2176xf32, #tpu.memory_space<vmem>>
        %parallel_loop3A_418 = tpu.vector_load_idx %parallel_loop3A_417[%add3A_139] : memref<2176xf32, #tpu.memory_space<vmem>>[vector<16xi32>], vector<16xf32>,
        %parallel_loop3A_419 = tpu.memref_slice %arg8[%parallel_loop3A_366] : memref<24576xf32, #tpu.memory_space<vmem>> -> memref<2176xf32, #tpu.memory_space<vmem>>
        %parallel_loop3A_420 = arith.constant 1056 : index
        %parallel_loop3A_421 = tpu.vector_load %parallel_loop3A_419[%parallel_loop3A_420] {strides = array<i32>} : memref<2176xf32, #tpu.memory_space<vmem>>, vector<16xf32>,
        tpu.vector_store %parallel_loop3A_419[%parallel_loop3A_420], %parallel_loop3A_418 {strides = array<i32>} : memref<2176xf32, #tpu.memory_space<vmem>>, vector<16xf32>,
        %parallel_loop3A_422 = tpu.memref_slice %arg6[%parallel_loop3A_366] : memref<24576xf32, #tpu.memory_space<vmem>> -> memref<2176xf32, #tpu.memory_space<vmem>>
        %parallel_loop3A_423 = tpu.vector_load_idx %parallel_loop3A_422[%add3A_151] : memref<2176xf32, #tpu.memory_space<vmem>>[vector<16xi32>], vector<16xf32>,
        %parallel_loop3A_424 = tpu.memref_slice %arg8[%parallel_loop3A_366] : memref<24576xf32, #tpu.memory_space<vmem>> -> memref<2176xf32, #tpu.memory_space<vmem>>
        %parallel_loop3A_425 = arith.constant 1072 : index
        %parallel_loop3A_426 = tpu.vector_load %parallel_loop3A_424[%parallel_loop3A_425] {strides = array<i32>} : memref<2176xf32, #tpu.memory_space<vmem>>, vector<16xf32>,
        tpu.vector_store %parallel_loop3A_424[%parallel_loop3A_425], %parallel_loop3A_423 {strides = array<i32>} : memref<2176xf32, #tpu.memory_space<vmem>>, vector<16xf32>,
        %parallel_loop3A_427 = tpu.memref_slice %arg6[%parallel_loop3A_366] : memref<24576xf32, #tpu.memory_space<vmem>> -> memref<2176xf32, #tpu.memory_space<vmem>>
        %parallel_loop3A_428 = tpu.vector_load_idx %parallel_loop3A_427[%add3A_163] : memref<2176xf32, #tpu.memory_space<vmem>>[vector<16xi32>], vector<16xf32>,
        %parallel_loop3A_429 = tpu.memref_slice %arg8[%parallel_loop3A_366] : memref<24576xf32, #tpu.memory_space<vmem>> -> memref<2176xf32, #tpu.memory_space<vmem>>
        %parallel_loop3A_430 = arith.constant 1088 : index
        %parallel_loop3A_431 = tpu.vector_load %parallel_loop3A_429[%parallel_loop3A_430] {strides = array<i32>} : memref<2176xf32, #tpu.memory_space<vmem>>, vector<16xf32>,
        tpu.vector_store %parallel_loop3A_429[%parallel_loop3A_430], %parallel_loop3A_428 {strides = array<i32>} : memref<2176xf32, #tpu.memory_space<vmem>>, vector<16xf32>,
        %parallel_loop3A_432 = tpu.memref_slice %arg6[%parallel_loop3A_366] : memref<24576xf32, #tpu.memory_space<vmem>> -> memref<2176xf32, #tpu.memory_space<vmem>>
        %parallel_loop3A_433 = tpu.vector_load_idx %parallel_loop3A_432[%add3A_175] : memref<2176xf32, #tpu.memory_space<vmem>>[vector<16xi32>], vector<16xf32>,
        %parallel_loop3A_434 = tpu.memref_slice %arg8[%parallel_loop3A_366] : memref<24576xf32, #tpu.memory_space<vmem>> -> memref<2176xf32, #tpu.memory_space<vmem>>
        %parallel_loop3A_435 = arith.constant 1104 : index
        %parallel_loop3A_436 = tpu.vector_load %parallel_loop3A_434[%parallel_loop3A_435] {strides = array<i32>} : memref<2176xf32, #tpu.memory_space<vmem>>, vector<16xf32>,
        tpu.vector_store %parallel_loop3A_434[%parallel_loop3A_435], %parallel_loop3A_433 {strides = array<i32>} : memref<2176xf32, #tpu.memory_space<vmem>>, vector<16xf32>,
        %parallel_loop3A_437 = tpu.memref_slice %arg6[%parallel_loop3A_366] : memref<24576xf32, #tpu.memory_space<vmem>> -> memref<2176xf32, #tpu.memory_space<vmem>>
        %parallel_loop3A_438 = tpu.vector_load_idx %parallel_loop3A_437[%add3A_187] : memref<2176xf32, #tpu.memory_space<vmem>>[vector<16xi32>], vector<16xf32>,
        %parallel_loop3A_439 = tpu.memref_slice %arg8[%parallel_loop3A_366] : memref<24576xf32, #tpu.memory_space<vmem>> -> memref<2176xf32, #tpu.memory_space<vmem>>
        %parallel_loop3A_440 = arith.constant 1120 : index
        %parallel_loop3A_441 = tpu.vector_load %parallel_loop3A_439[%parallel_loop3A_440] {strides = array<i32>} : memref<2176xf32, #tpu.memory_space<vmem>>, vector<16xf32>,
        tpu.vector_store %parallel_loop3A_439[%parallel_loop3A_440], %parallel_loop3A_438 {strides = array<i32>} : memref<2176xf32, #tpu.memory_space<vmem>>, vector<16xf32>,
        %parallel_loop3A_442 = tpu.memref_slice %arg6[%parallel_loop3A_366] : memref<24576xf32, #tpu.memory_space<vmem>> -> memref<2176xf32, #tpu.memory_space<vmem>>
        %parallel_loop3A_443 = tpu.vector_load_idx %parallel_loop3A_442[%add3A_199] : memref<2176xf32, #tpu.memory_space<vmem>>[vector<16xi32>], vector<16xf32>,
        %parallel_loop3A_444 = tpu.memref_slice %arg8[%parallel_loop3A_366] : memref<24576xf32, #tpu.memory_space<vmem>> -> memref<2176xf32, #tpu.memory_space<vmem>>
        %parallel_loop3A_445 = arith.constant 1136 : index
        %parallel_loop3A_446 = tpu.vector_load %parallel_loop3A_444[%parallel_loop3A_445] {strides = array<i32>} : memref<2176xf32, #tpu.memory_space<vmem>>, vector<16xf32>,
        tpu.vector_store %parallel_loop3A_444[%parallel_loop3A_445], %parallel_loop3A_443 {strides = array<i32>} : memref<2176xf32, #tpu.memory_space<vmem>>, vector<16xf32>,
        %parallel_loop3A_447 = tpu.memref_slice %arg6[%parallel_loop3A_366] : memref<24576xf32, #tpu.memory_space<vmem>> -> memref<2176xf32, #tpu.memory_space<vmem>>
        %parallel_loop3A_448 = tpu.vector_load_idx %parallel_loop3A_447[%add3A_211] : memref<2176xf32, #tpu.memory_space<vmem>>[vector<16xi32>], vector<16xf32>,
        %parallel_loop3A_449 = tpu.memref_slice %arg8[%parallel_loop3A_366] : memref<24576xf32, #tpu.memory_space<vmem>> -> memref<2176xf32, #tpu.memory_space<vmem>>
        %parallel_loop3A_450 = arith.constant 2048 : index
        %parallel_loop3A_451 = tpu.vector_load %parallel_loop3A_449[%parallel_loop3A_450] {strides = array<i32>} : memref<2176xf32, #tpu.memory_space<vmem>>, vector<16xf32>,
        tpu.vector_store %parallel_loop3A_449[%parallel_loop3A_450], %parallel_loop3A_448 {strides = array<i32>} : memref<2176xf32, #tpu.memory_space<vmem>>, vector<16xf32>,
        %parallel_loop3A_452 = tpu.memref_slice %arg6[%parallel_loop3A_366] : memref<24576xf32, #tpu.memory_space<vmem>> -> memref<2176xf32, #tpu.memory_space<vmem>>
        %parallel_loop3A_453 = tpu.vector_load_idx %parallel_loop3A_452[%add3A_223] : memref<2176xf32, #tpu.memory_space<vmem>>[vector<16xi32>], vector<16xf32>,
        %parallel_loop3A_454 = tpu.memref_slice %arg8[%parallel_loop3A_366] : memref<24576xf32, #tpu.memory_space<vmem>> -> memref<2176xf32, #tpu.memory_space<vmem>>
        %parallel_loop3A_455 = arith.constant 2064 : index
        %parallel_loop3A_456 = tpu.vector_load %parallel_loop3A_454[%parallel_loop3A_455] {strides = array<i32>} : memref<2176xf32, #tpu.memory_space<vmem>>, vector<16xf32>,
        tpu.vector_store %parallel_loop3A_454[%parallel_loop3A_455], %parallel_loop3A_453 {strides = array<i32>} : memref<2176xf32, #tpu.memory_space<vmem>>, vector<16xf32>,
        %parallel_loop3A_457 = tpu.memref_slice %arg6[%parallel_loop3A_366] : memref<24576xf32, #tpu.memory_space<vmem>> -> memref<2176xf32, #tpu.memory_space<vmem>>
        %parallel_loop3A_458 = tpu.vector_load_idx %parallel_loop3A_457[%add3A_235] : memref<2176xf32, #tpu.memory_space<vmem>>[vector<16xi32>], vector<16xf32>,
        %parallel_loop3A_459 = tpu.memref_slice %arg8[%parallel_loop3A_366] : memref<24576xf32, #tpu.memory_space<vmem>> -> memref<2176xf32, #tpu.memory_space<vmem>>
        %parallel_loop3A_460 = arith.constant 2080 : index
        %parallel_loop3A_461 = tpu.vector_load %parallel_loop3A_459[%parallel_loop3A_460] {strides = array<i32>} : memref<2176xf32, #tpu.memory_space<vmem>>, vector<16xf32>,
        tpu.vector_store %parallel_loop3A_459[%parallel_loop3A_460], %parallel_loop3A_458 {strides = array<i32>} : memref<2176xf32, #tpu.memory_space<vmem>>, vector<16xf32>,
        %parallel_loop3A_462 = tpu.memref_slice %arg6[%parallel_loop3A_366] : memref<24576xf32, #tpu.memory_space<vmem>> -> memref<2176xf32, #tpu.memory_space<vmem>>
        %parallel_loop3A_463 = tpu.vector_load_idx %parallel_loop3A_462[%add3A_247] : memref<2176xf32, #tpu.memory_space<vmem>>[vector<16xi32>], vector<16xf32>,
        %parallel_loop3A_464 = tpu.memref_slice %arg8[%parallel_loop3A_366] : memref<24576xf32, #tpu.memory_space<vmem>> -> memref<2176xf32, #tpu.memory_space<vmem>>
        %parallel_loop3A_465 = arith.constant 2096 : index
        %parallel_loop3A_466 = tpu.vector_load %parallel_loop3A_464[%parallel_loop3A_465] {strides = array<i32>} : memref<2176xf32, #tpu.memory_space<vmem>>, vector<16xf32>,
        tpu.vector_store %parallel_loop3A_464[%parallel_loop3A_465], %parallel_loop3A_463 {strides = array<i32>} : memref<2176xf32, #tpu.memory_space<vmem>>, vector<16xf32>,
        %parallel_loop3A_467 = tpu.memref_slice %arg6[%parallel_loop3A_366] : memref<24576xf32, #tpu.memory_space<vmem>> -> memref<2176xf32, #tpu.memory_space<vmem>>
        %parallel_loop3A_468 = tpu.vector_load_idx %parallel_loop3A_467[%add3A_259] : memref<2176xf32, #tpu.memory_space<vmem>>[vector<16xi32>], vector<16xf32>,
        %parallel_loop3A_469 = tpu.memref_slice %arg8[%parallel_loop3A_366] : memref<24576xf32, #tpu.memory_space<vmem>> -> memref<2176xf32, #tpu.memory_space<vmem>>
        %parallel_loop3A_470 = arith.constant 2112 : index
        %parallel_loop3A_471 = tpu.vector_load %parallel_loop3A_469[%parallel_loop3A_470] {strides = array<i32>} : memref<2176xf32, #tpu.memory_space<vmem>>, vector<16xf32>,
        tpu.vector_store %parallel_loop3A_469[%parallel_loop3A_470], %parallel_loop3A_468 {strides = array<i32>} : memref<2176xf32, #tpu.memory_space<vmem>>, vector<16xf32>,
        %parallel_loop3A_472 = tpu.memref_slice %arg6[%parallel_loop3A_366] : memref<24576xf32, #tpu.memory_space<vmem>> -> memref<2176xf32, #tpu.memory_space<vmem>>
        %parallel_loop3A_473 = tpu.vector_load_idx %parallel_loop3A_472[%add3A_271] : memref<2176xf32, #tpu.memory_space<vmem>>[vector<16xi32>], vector<16xf32>,
        %parallel_loop3A_474 = tpu.memref_slice %arg8[%parallel_loop3A_366] : memref<24576xf32, #tpu.memory_space<vmem>> -> memref<2176xf32, #tpu.memory_space<vmem>>
        %parallel_loop3A_475 = arith.constant 2128 : index
        %parallel_loop3A_476 = tpu.vector_load %parallel_loop3A_474[%parallel_loop3A_475] {strides = array<i32>} : memref<2176xf32, #tpu.memory_space<vmem>>, vector<16xf32>,
        tpu.vector_store %parallel_loop3A_474[%parallel_loop3A_475], %parallel_loop3A_473 {strides = array<i32>} : memref<2176xf32, #tpu.memory_space<vmem>>, vector<16xf32>,
        %parallel_loop3A_477 = tpu.memref_slice %arg6[%parallel_loop3A_366] : memref<24576xf32, #tpu.memory_space<vmem>> -> memref<2176xf32, #tpu.memory_space<vmem>>
        %parallel_loop3A_478 = tpu.vector_load_idx %parallel_loop3A_477[%add3A_283] : memref<2176xf32, #tpu.memory_space<vmem>>[vector<16xi32>], vector<16xf32>,
        %parallel_loop3A_479 = tpu.memref_slice %arg8[%parallel_loop3A_366] : memref<24576xf32, #tpu.memory_space<vmem>> -> memref<2176xf32, #tpu.memory_space<vmem>>
        %parallel_loop3A_480 = arith.constant 2144 : index
        %parallel_loop3A_481 = tpu.vector_load %parallel_loop3A_479[%parallel_loop3A_480] {strides = array<i32>} : memref<2176xf32, #tpu.memory_space<vmem>>, vector<16xf32>,
        tpu.vector_store %parallel_loop3A_479[%parallel_loop3A_480], %parallel_loop3A_478 {strides = array<i32>} : memref<2176xf32, #tpu.memory_space<vmem>>, vector<16xf32>,
        %parallel_loop3A_482 = tpu.memref_slice %arg6[%parallel_loop3A_366] : memref<24576xf32, #tpu.memory_space<vmem>> -> memref<2176xf32, #tpu.memory_space<vmem>>
        %parallel_loop3A_483 = tpu.vector_load_idx %parallel_loop3A_482[%add3A_295] : memref<2176xf32, #tpu.memory_space<vmem>>[vector<16xi32>], vector<16xf32>,
        %parallel_loop3A_484 = tpu.memref_slice %arg8[%parallel_loop3A_366] : memref<24576xf32, #tpu.memory_space<vmem>> -> memref<2176xf32, #tpu.memory_space<vmem>>
        %parallel_loop3A_485 = arith.constant 2160 : index
        %parallel_loop3A_486 = tpu.vector_load %parallel_loop3A_484[%parallel_loop3A_485] {strides = array<i32>} : memref<2176xf32, #tpu.memory_space<vmem>>, vector<16xf32>,
        tpu.vector_store %parallel_loop3A_484[%parallel_loop3A_485], %parallel_loop3A_483 {strides = array<i32>} : memref<2176xf32, #tpu.memory_space<vmem>>, vector<16xf32>,
      } {sc.loop_unroll_factor = 4 : i64, sc.parallel_access}
      %mul3A_347 = arith.constant 24576 : i32
      %mul3A_348 = arith.muli %add3A_333, %mul3A_347 : i32
      %add3A_349 = arith.addi %mul3A_4, %mul3A_348 : i32
      %dma_start3A_350 = tpu.memref_slice %arg4[%add3A_349] : memref<12582912xf32, #tpu.memory_space<hbm>> -> memref<24576xf32, #tpu.memory_space<hbm>>
      %dma_start3A_351 = tpu.memref_slice %arg4[%add3A_349] : memref<12582912xf32, #tpu.memory_space<hbm>> -> memref<24576xf32, #tpu.memory_space<hbm>>
      tpu.enqueue_dma source(%arg8 : memref<24576xf32, #tpu.memory_space<vmem>>) target(%dma_start3A_351 : memref<24576xf32, #tpu.memory_space<hbm>>) target_semaphore(%arg13 : memref<!tpu.dma_semaphore, #tpu.memory_space<semaphore_mem>>)
      %lt3A_352 = arith.constant 14 : i32
      %lt3A_353 = arith.cmpi slt, %add3A_333, %lt3A_352 : i32
      %convert_element_type3A_354 = arith.extui %lt3A_353 : i1 to i32
      %cond3A_355 = arith.constant 0 : i32
      %cond3A_356 = arith.cmpi ne, %convert_element_type3A_354, %cond3A_355 : i32
      scf.if %cond3A_356 {
        %add3A_357 = arith.constant 2 : i32
        %add3A_358 = arith.addi %add3A_333, %add3A_357 : i32
        %mul3A_359 = arith.constant 24576 : i32
        %mul3A_360 = arith.muli %add3A_358, %mul3A_359 : i32
        %add3A_361 = arith.addi %mul3A_4, %mul3A_360 : i32
        %dma_start3A_362 = tpu.memref_slice %arg2[%add3A_361] : memref<12582912xf32, #tpu.memory_space<hbm>> -> memref<24576xf32, #tpu.memory_space<hbm>>
        %dma_start3A_363 = tpu.memref_slice %arg2[%add3A_361] : memref<12582912xf32, #tpu.memory_space<hbm>> -> memref<24576xf32, #tpu.memory_space<hbm>>
        tpu.enqueue_dma source(%dma_start3A_363 : memref<24576xf32, #tpu.memory_space<hbm>>) target(%arg6 : memref<24576xf32, #tpu.memory_space<vmem>>) target_semaphore(%arg11 : memref<!tpu.dma_semaphore, #tpu.memory_space<semaphore_mem>>)
      } else {
      }
    }
    %scan3A_299 = arith.constant 8 : i32
    %add3A_300 = arith.constant 344064 : i32
    %add3A_301 = arith.addi %mul3A_4, %add3A_300 : i32
    %dma_wait3A = tpu.memref_slice %arg4[%add3A_301] : memref<12582912xf32, #tpu.memory_space<hbm>> -> memref<24576xf32, #tpu.memory_space<hbm>>
    %dma_wait3A_302 = tpu.memref_slice %arg4[%add3A_301] : memref<12582912xf32, #tpu.memory_space<hbm>> -> memref<24576xf32, #tpu.memory_space<hbm>>
    tpu.wait_dma2 semaphore(%arg12 : memref<!tpu.dma_semaphore, #tpu.memory_space<semaphore_mem>>) src(%arg7 : memref<24576xf32, #tpu.memory_space<vmem>>) dst(%dma_wait3A_302 : memref<24576xf32, #tpu.memory_space<hbm>>)
    %add3A_303 = arith.constant 368640 : i32
    %add3A_304 = arith.addi %mul3A_4, %add3A_303 : i32
    %dma_wait3A_305 = tpu.memref_slice %arg4[%add3A_304] : memref<12582912xf32, #tpu.memory_space<hbm>> -> memref<24576xf32, #tpu.memory_space<hbm>>
    %dma_wait3A_306 = tpu.memref_slice %arg4[%add3A_304] : memref<12582912xf32, #tpu.memory_space<hbm>> -> memref<24576xf32, #tpu.memory_space<hbm>>
    tpu.wait_dma2 semaphore(%arg13 : memref<!tpu.dma_semaphore, #tpu.memory_space<semaphore_mem>>) src(%arg8 : memref<24576xf32, #tpu.memory_space<vmem>>) dst(%dma_wait3A_306 : memref<24576xf32, #tpu.memory_space<hbm>>)
    return
  }
}

</mosaic_0001>

<sc_bundles>
// kernel: kernel.3.cloned.1.call-start
scs
__scs_entry_jumppad:
0x0: {  	(pc) =	sbr.rel $0x88, $3  }
0x1: {  	(tag) =	ssettag $0x0;
	lr =	simm.s32 $0x1  }
0x2: {  	[smem:$0x3F9F] =	sst lr;
	_ =	strace $0xD0000000  }
0x3: {  	_ = 	snop  }
0x4: {  	_ = 	snop  }
0x5: {  	_ = 	snop  }
0x6: {  	_ = 	snop  }
0x7: {  	_ = 	snop  }
__scs_overlays_trampoline_lowered:
0x8: {  	[smem:$0x3FAE] =	sst s0  }
0x9: {  	[smem:$0x3FAF] =	sst s1  }
0xa: {  	[smem:$0x3FB0] =	sst s2  }
0xb: {  	[smem:$0x3FB1] =	sst s3  }
0xc: {  	[smem:$0x3FB2] =	sst s4  }
0xd: {  	[smem:$0x3FB3] =	sst s5  }
0xe: {  	[smem:$0x3FB4] =	sst s6  }
0xf: {  	[smem:$0x3FB5] =	sst s7  }
0x10: {  	[smem:$0x3FB6] =	sst s8  }
0x11: {  	[smem:$0x3FB7] =	sst s9;
	s0 =	simm.s32 @!p0 $0x0  }
0x12: {  	s1 =	sld [smem:$0x3F9D];
	s0 =	simm.s32 @p0 $0x1  }
0x13: {  	[smem:$0x3FB8] =	sst s0;
	s0 =	simm.s32 @!p1 $0x0  }
0x14: {  	s2 =	sld [smem:$0x3F9C];
	s0 =	simm.s32 @p1 $0x1  }
0x15: {  	[smem:$0x3FB9] =	sst s0;
	s0 =	simm.s32 @!p2 $0x0  }
0x16: {  	s3 =	sld [smem:$0x3FDB];
	s0 =	simm.s32 @p2 $0x1  }
0x17: {  	s4 =	simm.s32 $0x1BF5;
	[smem:$0x3FBB] =	sst s0  }
0x18: {  	s0 =	sld [smem:$0x3F9E];
	_ =	swait.ge [sflag:s4], $0x0  }
0x19: {  	s7 =	sld [smem:$0x3F9F]  }
0x1a: {  	s8 =	sadd.s32 $0xFFFFE003, lr  }
0x1b: {  	s9 =	sadd.s32 $0xFFFFFEF7, lr;
	s5 =	simm.s32 $0xFFFFFFFF;
	p2 =	slt.u32 s8, $0xFFFFF086  }
0x1c: {  	p1 =	slt.u32 s9, $0xF7A;
	s5 =	simm.s32 @!p2 $0x0  }
0x1d: {  	s5 =	simm.s32 @p1 $0x1;
	p0 =	seq.s32 s7, s2  }
0x1e: {  	s7 =	smul.u32 @!p0 $0xF7A, s2;
	p2 =	seq.s32 @!p0 s5, $0x0  }
0x1f: {  	s9 =	smul.u32 $0xF7A, s1;
	s8 =	simm.s32 @!p0 $0x1BF5;
	p2 =	por !p2, p0  }
0x20: {  	[sflag:s8] =	ssyncset.s32 @!p0 $0xFFFFF086;
	s6 =	sadd.s32 @!p0 s3, s7;
	s7 =	simm.s32 @!p0 $0x108  }
0x21: {  	s3 =	sadd.s32 s3, s9;
	s6 =	sadd.s32 @!p0 $0x88, s6;
	s7 =	simm.s32 @p2 $0x1082  }
0x22: {  	[simem:s7], [sflag:s8] =	dma.local @!p0 [hbm:s6], $0xF7A  }
0x23: {  	s9 =	sor.u32 $0xD0000000, s2;
	s6 =	simm.s32 $0x108;
	_ =	swait.ge @!p0 [sflag:s8], $0x0  }
0x24: {  	s3 =	sadd.s32 $0x88, s3;
	s6 =	simm.s32 @!p1 $0x1082;
	[sflag:s4] =	ssyncset.s32 $0xFFFFF086  }
0x25: {  	[simem:s6], [sflag:s4] =	dma.local [hbm:s3], $0xF7A  }
0x26: {  	[smem:$0x3F9F] =	sst s1;
	(tag) =	ssettag s2;
	_ =	strace s9  }
0x27: {  	s1 =	sld [smem:$0x3FAF]  }
0x28: {  	s2 =	sld [smem:$0x3FB0]  }
0x29: {  	s4 =	sld [smem:$0x3FB2]  }
0x2a: {  	p0 =	seq.s32 s5, $0x0;
	s5 =	sld [smem:$0x3FB3]  }
0x2b: {  	s6 =	sld [smem:$0x3FB4]  }
0x2c: {  	s7 =	sld [smem:$0x3FB5]  }
0x2d: {  	s3 =	simm.s32 $0x108;
	s8 =	sld [smem:$0x3FB6]  }
0x2e: {  	s3 =	simm.s32 @!p0 $0x1082;
	s9 =	sld [smem:$0x3FB7]  }
0x2f: {  	lr =	sadd.s32 s0, s3;
	s0 =	sld [smem:$0x3FAE]  }
0x30: {  	s3 =	sld [smem:$0x3FB1]  }
0x31: {  	[smem:$0x3FBA] =	sst s10  }
0x32: {  	s10 =	sld [smem:$0x3FB8];
	_ =	sdelay $0x3  }
0x33: {  	p0 =	seq.s32 s10, $0x1;
	s10 =	sld [smem:$0x3FBA];
	_ =	sdelay $0x3  }
0x34: {  	[smem:$0x3FBA] =	sst s10  }
0x35: {  	s10 =	sld [smem:$0x3FB9];
	_ =	sdelay $0x3  }
0x36: {  	p1 =	seq.s32 s10, $0x1;
	s10 =	sld [smem:$0x3FBA];
	_ =	sdelay $0x3  }
0x37: {  	[smem:$0x3FBA] =	sst s10  }
0x38: {  	s10 =	sld [smem:$0x3FBB]  }
0x39: {  	_ = 	snop;
	(pc) =	sbr.ind lr, $3  }
0x3a: {  	_ = 	snop  }
0x3b: {  	_ = 	snop  }
0x3c: {  	p2 =	seq.s32 s10, $0x1;
	s10 =	sld [smem:$0x3FBA]  }
0x3d: {  	_ =	shalt  }
0x3e: {  	_ =	shalt  }
0x3f: {  	_ =	shalt  }
0x40: {  	_ =	shalt  }
0x41: {  	_ =	shalt  }
0x42: {  	_ =	shalt  }
0x43: {  	_ =	shalt  }
0x44: {  	_ =	shalt  }
0x45: {  	_ =	shalt  }
0x46: {  	_ =	shalt  }
0x47: {  	_ =	shalt  }
0x48: {  	_ =	shalt  }
0x49: {  	_ =	shalt  }
0x4a: {  	_ =	shalt  }
0x4b: {  	_ =	shalt  }
0x4c: {  	_ =	shalt  }
0x4d: {  	_ =	shalt  }
0x4e: {  	_ =	shalt  }
0x4f: {  	_ =	shalt  }
0x50: {  	_ =	shalt  }
0x51: {  	_ =	shalt  }
0x52: {  	_ =	shalt  }
0x53: {  	_ =	shalt  }
0x54: {  	_ =	shalt  }
0x55: {  	_ =	shalt  }
0x56: {  	_ =	shalt  }
0x57: {  	_ =	shalt  }
0x58: {  	_ =	shalt  }
0x59: {  	_ =	shalt  }
0x5a: {  	_ =	shalt  }
0x5b: {  	_ =	shalt  }
0x5c: {  	_ =	shalt  }
0x5d: {  	_ =	shalt  }
0x5e: {  	_ =	shalt  }
0x5f: {  	_ =	shalt  }
0x60: {  	_ =	shalt  }
0x61: {  	_ =	shalt  }
0x62: {  	_ =	shalt  }
0x63: {  	_ =	shalt  }
0x64: {  	_ =	shalt  }
0x65: {  	_ =	shalt  }
0x66: {  	_ =	shalt  }
0x67: {  	_ =	shalt  }
0x68: {  	_ =	shalt  }
0x69: {  	_ =	shalt  }
0x6a: {  	_ =	shalt  }
0x6b: {  	_ =	shalt  }
0x6c: {  	_ =	shalt  }
0x6d: {  	_ =	shalt  }
0x6e: {  	_ =	shalt  }
0x6f: {  	_ =	shalt  }
0x70: {  	_ =	shalt  }
0x71: {  	_ =	shalt  }
0x72: {  	_ =	shalt  }
0x73: {  	_ =	shalt  }
0x74: {  	_ =	shalt  }
0x75: {  	_ =	shalt  }
0x76: {  	_ =	shalt  }
0x77: {  	_ =	shalt  }
0x78: {  	_ =	shalt  }
0x79: {  	_ =	shalt  }
0x7a: {  	_ =	shalt  }
0x7b: {  	_ =	shalt  }
0x7c: {  	_ =	shalt  }
0x7d: {  	_ =	shalt  }
0x7e: {  	_ =	shalt  }
0x7f: {  	_ =	shalt  }
0x80: {  	_ =	shalt  }
0x81: {  	_ =	shalt  }
0x82: {  	_ =	shalt  }
0x83: {  	_ =	shalt  }
0x84: {  	_ =	shalt  }
0x85: {  	_ =	shalt  }
0x86: {  	_ =	shalt  }
0x87: {  	_ =	shalt  }
.Lfunc_end0:
.L_simem_size_0:
called_computation_lowered:
.L_overlay_start_0:
0x88: {  	s2 =	sld [smem:$0x3FD9]  }
0x89: {  	s3 =	sld [smem:$0x3FFE];
	_ =	sdelay $0x1  }
0x8a: {  	s1 =	srdreg.scid  }
0x8b: {  	s0 =	sand.u32 $0x1, s1  }
0x8c: {  	s18 =	sshll.u32 s0, $0xA;
	s2 =	sadd.s32 s3, s2  }
0x8d: {  	s2 =	sadd.s32 s2, s18  }
0x8e: {  	[smem:$0x3FC6] =	sst s2  }
0x8f: {  	_ = 	snop  }
0x90: {  	s2 =	sld [smem:$0x3FC9]  }
0x91: {  	s19 =	sld [smem:$0x3FC8]  }
0x92: {  	s4 =	sld [smem:$0x3FD0];
	(tm) =	ssettm $0x1  }
0x93: {  	s5 =	sld [smem:$0x3FFB];
	_ =	sdelay $0x3  }
0x94: {  	_ =	strace s5  }
0x95: {  	s5 =	sld [smem:$0x3FFC];
	_ =	sdelay $0x3  }
0x96: {  	_ =	strace s5  }
0x97: {  	s5 =	sld [smem:$0x3FFD];
	_ =	sdelay $0x3  }
0x98: {  	_ =	strace s5  }
0x99: {  	_ =	strace $0x8FFFFFFF  }
0x9a: {  	s20 =	sld [smem:$0x3FDB];
	_ =	sdelay $0x1  }
0x9b: {  	s6 =	simm.s32 $_scs_section_size  }
0x9c: {  	s7 =	simm.s32 $_size__tile_overlayer_lowered;
	s8 =	simm.s32 $_tile_overlayer_lowered  }
0x9d: {  	s23 =	simm.s32 $0x1BFF;
	s22 =	sshll.u32 s8, $0x1;
	s5 =	sadd.s32 s6, s20  }
0x9e: {  	s9 =	simm.s32 $0x0;
	s21 =	sshll.u32 s7, $0x1;
	s7 =	sadd.s32 s22, s5  }
0x9f: {  	[timem:s9], [sflag:s23] =	dma.local [hbm:s7], s21  }
0xa0: {  	_ =	swait.ge [sflag:s23], s21  }
0xa1: {  	s6 =	ssub.s32 $0x0, s21;
	[sflag:s23] =	ssyncset.done $0x0  }
0xa2: {  	[sflag:s23] =	ssyncadd.s32 s6;
	_ =	sdelay $0x1  }
0xa3: {  	s24 =	simm.s32 $0x1B8B  }
0xa4: {  	_ =	swait.ge [sflag:s24], $0x1  }
0xa5: {  	[sflag:s24] =	ssyncset.done $0x0  }
0xa6: {  	s25 =	simm.s32 $0x1B8E;
	[sflag:s24] =	ssyncadd.s32 $0xFFFFFFFF  }
0xa7: {  	s26 =	simm.s32 $execute0_lowered;
	[smem:$0x3FD2] =	sst s25  }
0xa8: {  	s6 =	sshll.u32 s26, $0x1;
	_ =	strace $0x80000046;
	[dreg:$0x1] =	wrdreg $0xFFFFFFFF  }
0xa9: {  	s28 =	simm.s32 $_size_execute0_lowered;
	s5 =	sadd.s32 s5, s6;
	[dreg:$0x0] =	wrdreg $0x0  }
0xaa: {  	s6 =	sshll.u32 s28, $0x1;
	[dreg:$0x2] =	wrdreg s5  }
0xab: {  	[dreg:$0x3] =	wrdreg s6  }
0xac: {  	[dreg:$0x4] =	wrdreg $0xC0  }
0xad: {  	_ =	task [dreg:s9], $0x5FFFF  }
0xae: {  	[dreg:$0x1] =	wrdreg $0xFFFFFFFF  }
0xaf: {  	[dreg:$0x0] =	wrdreg $0x60  }
0xb0: {  	[dreg:$0x2] =	wrdreg s2  }
0xb1: {  	[dreg:$0x3] =	wrdreg s19  }
0xb2: {  	[dreg:$0x4] =	wrdreg s4  }
0xb3: {  	[dreg:$0x5] =	wrdreg $0x9  }
0xb4: {  	_ =	task.clear_ibuf [dreg:s9], $0x6FFFF;
	_ =	strace $0x90000046  }
0xb5: {  	s29 =	simm.s32 $0x9;
	_ =	strace $0x80000048  }
0xb6: {  	_ =	swait.ge [sflag:s29], $0x1  }
0xb7: {  	[sflag:s29] =	ssyncadd.s32 $0xFFFFFFFF  }
0xb8: {  	_ =	strace $0x90000048  }
0xb9: {  	_ =	sfence  }
0xba: {  	s30 =	sld [smem:$0x0];
	_ =	sdelay $0x2  }
0xbb: {  	s31 =	sshll.u32 s1, $0xD;
	s1 =	sshrl.u32 s1, $0x2  }
0xbc: {  	s3 =	sand.u32 $0x4000, s31;
	s1 =	sadd.s32 s1, s30  }
0xbd: {  	s0 =	sor.u32 s3, s0;
	s1 =	sshll.u32 s1, $0x11  }
0xbe: {  	s0 =	sor.u32 s1, s0  }
0xbf: {  	s0 =	sadd.s32 $0x8F2B, s0  }
0xc0: {  	[sflag:s0] =	ssyncadd.remote.s32 $0x1  }
0xc1: {  	_ =	sfence.sel $0xFFFF  }
0xc2: {  	[dreg:$0x0] =	wrdreg $0xFFFFFFFF;
	(pc) =	sbr.abs _section_cstart, $3  }
0xc3: {  	[dreg:$0x1] =	wrdreg $0xFFFFFFFF  }
0xc4: {  	_ =	task.clear_ibuf [dreg:s9], $0x2FFFF;
	_ =	strace $0x9FFFFFFF  }
0xc5: {  	(tm) =	ssettm $0x7FFFFFFF  }
tec
execute0_lowered:
.L_overlay_start_1:
0x0: {  	(tag) =	ssettag $0x1  }
0x1: {  	s0 =	srdreg.scid;
	s1 =	rddreg [dreg:$0x0]  }
0x2: {  	s2 =	stileid.u32;
	s4 =	rddreg [dreg:$0x2]  }
0x3: {  	s6 =	simm.s32 $0x0;
	s13 =	simm.s32 $0x6000;
	s15 =	simm.s32 $0x5  }
0x4: {  	s16 =	simm.s32 $0x1;
	s0 =	sand.u32 $0x1, s0;
	s2 =	sshll.u32 s2, $0x1  }
0x5: {  	s17 =	simm.s32 $0xC000;
	s18 =	simm.s32 $0x2;
	s2 =	sor.u32 s0, s2  }
0x6: {  	s19 =	simm.s32 $0x12000;
	s20 =	simm.s32 $0x3;
	s5 =	smul.u32 $0x60000, s2  }
.Ltmp0:
0x7: {  	s21 =	simm.s32 $0x4;
	s0 =	ssub.s32 $0x2, s0;
	(pc) =	sbr.rel .LBB2_1-.Ltmp0, $4  }
0x8: {  	s22 =	simm.s32 $0x0;
	[smem:$0x7FF] =	sst s6;
	s31 =	sshrl.u32 s0, $0x1  }
0x9: {  	_ =	strace $0x80000047;
	s0 =	ssub.s32 s0, s31;
	s3 =	sshrl.u32 s5, $0x3  }
0xa: {  	s9 =	sor.u32 $0xC000, s5;
	s10 =	sor.u32 $0x6000, s5;
	s7 =	sadd.s32 s1, s3  }
0xb: {  	s11 =	sor.u32 $0x12000, s5;
	s12 =	smax.u32 s0, $0x1;
	s8 =	sadd.s32 $0xC00, s7  }
.LBB2_8:
0xc: {  	s22 =	sadd.s32 $0x1, s22  }
0xd: {  	_ =	swait.ge [sflag:s20], $0x6000;
	p0 =	sne.s32 s22, s12  }
.Ltmp1:
0xe: {  	[sflag:s20] =	ssyncset.done $0x0;
	(pc) =	sbr.rel @!p0 .LBB2_9-.Ltmp1, $4  }
0xf: {  	[sflag:s20] =	ssyncadd.s32 $0xFFFFA000  }
0x10: {  	_ =	swait.ge [sflag:s21], $0x6000  }
0x11: {  	[sflag:s21] =	ssyncset.done $0x0  }
0x12: {  	[sflag:s21] =	ssyncadd.s32 $0xFFFFA000  }
.LBB2_1:
0x13: {  	[tilespmem:s6], [sflag:$0x1] =	stream.linear.gather [hbm4b:s7+s6], $0x6000, $0x38;
	[tilespmem:$0x18180] =	vst v63  }
0x14: {  	_ = 	snop  }
0x15: {  	[tilespmem:s13], [sflag:$0x2] =	stream.linear.gather [hbm4b:s8+s6], $0x6000, $0x38;
	[tilespmem:$0x18180] =	vst v63  }
0x16: {  	s0 =	rddreg [dreg:$0x1];
	s2 =	simm.s32 $0x18000  }
0x17: {  	[tilespmem:s2], [sflag:$0x5] =	stream.linear.gather [hbm4b:s0+s6], $0x180, $0x38;
	[tilespmem:$0x18180] =	vst v63  }
0x18: {  	_ =	swait.ge [sflag:s15], $0x180  }
0x19: {  	[sflag:s15] =	ssyncset.done $0x0  }
0x1a: {  	[sflag:s15] =	ssyncadd.s32 $0xFFFFFE80  }
0x1b: {  	v0 =	vld [tilespmem:$0x18000]  }
0x1c: {  	v1 =	vld [tilespmem:$0x18010]  }
0x1d: {  	v2 =	vld [tilespmem:$0x18020]  }
0x1e: {  	v3 =	vld [tilespmem:$0x18030]  }
0x1f: {  	v4 =	vld [tilespmem:$0x18040]  }
0x20: {  	v5 =	vld [tilespmem:$0x18050]  }
0x21: {  	v6 =	vld [tilespmem:$0x18060]  }
0x22: {  	v7 =	vld [tilespmem:$0x18070]  }
0x23: {  	v8 =	vld [tilespmem:$0x18080]  }
0x24: {  	v9 =	vld [tilespmem:$0x18090]  }
0x25: {  	v10 =	vld [tilespmem:$0x180A0]  }
0x26: {  	v11 =	vld [tilespmem:$0x180B0]  }
0x27: {  	v12 =	vld [tilespmem:$0x180C0]  }
0x28: {  	v13 =	vld [tilespmem:$0x180D0]  }
0x29: {  	v17 =	vld [tilespmem:$0x180E0]  }
0x2a: {  	v18 =	vld [tilespmem:$0x180F0]  }
0x2b: {  	v22 =	vld [tilespmem:$0x18100]  }
0x2c: {  	v23 =	vld [tilespmem:$0x18110]  }
0x2d: {  	v27 =	vld [tilespmem:$0x18120]  }
0x2e: {  	v28 =	vld [tilespmem:$0x18130]  }
0x2f: {  	v32 =	vld [tilespmem:$0x18140]  }
0x30: {  	v33 =	vld [tilespmem:$0x18150];
	v14 =	vshll.u32 v0, $0x3;
	v15 =	vshll.u32 v1, $0x3;
	v16 =	vshll.u32 v2, $0x3  }
0x31: {  	v37 =	vld [tilespmem:$0x18160];
	v19 =	vshll.u32 v3, $0x3;
	v20 =	vshll.u32 v4, $0x3;
	v21 =	vshll.u32 v5, $0x3  }
0x32: {  	v38 =	vld [tilespmem:$0x18170];
	v24 =	vshll.u32 v6, $0x3;
	v25 =	vshll.u32 v7, $0x3;
	v26 =	vshll.u32 v8, $0x3  }
0x33: {  	v29 =	vshll.u32 v9, $0x3;
	v30 =	vshll.u32 v10, $0x3;
	v31 =	vshll.u32 v11, $0x3  }
0x34: {  	v34 =	vshll.u32 v12, $0x3;
	v35 =	vshll.u32 v13, $0x3;
	v36 =	vshll.u32 v17, $0x3  }
0x35: {  	v39 =	vshll.u32 v18, $0x3;
	v40 =	vshll.u32 v22, $0x3;
	v41 =	vshll.u32 v23, $0x3  }
0x36: {  	v42 =	vshll.u32 v27, $0x3;
	v43 =	vshll.u32 v28, $0x3;
	v44 =	vshll.u32 v32, $0x3  }
0x37: {  	v45 =	vshll.u32 v33, $0x3;
	v46 =	vshll.u32 v37, $0x3;
	v47 =	vshll.u32 v38, $0x3  }
0x38: {  	v0 =	vand.u32 $0x7F, v0;
	v1 =	vand.u32 $0x7F, v1;
	v2 =	vand.u32 $0x7F, v2  }
0x39: {  	v3 =	vand.u32 $0x7F, v3;
	v4 =	vand.u32 $0x7F, v4;
	v5 =	vand.u32 $0x7F, v5  }
0x3a: {  	v6 =	vand.u32 $0x7F, v6;
	v7 =	vand.u32 $0x7F, v7;
	v8 =	vand.u32 $0x7F, v8  }
0x3b: {  	v9 =	vand.u32 $0x7F, v9;
	v10 =	vand.u32 $0x7F, v10;
	v11 =	vand.u32 $0x7F, v11  }
0x3c: {  	v12 =	vand.u32 $0x7F, v12;
	v13 =	vand.u32 $0x7F, v13;
	v14 =	vand.u32 $0xFFFFFC00, v14  }
0x3d: {  	v15 =	vand.u32 $0xFFFFFC00, v15;
	v16 =	vand.u32 $0xFFFFFC00, v16;
	v19 =	vand.u32 $0xFFFFFC00, v19  }
0x3e: {  	v20 =	vand.u32 $0xFFFFFC00, v20;
	v21 =	vand.u32 $0xFFFFFC00, v21;
	v24 =	vand.u32 $0xFFFFFC00, v24  }
0x3f: {  	v25 =	vand.u32 $0xFFFFFC00, v25;
	v26 =	vand.u32 $0xFFFFFC00, v26;
	v29 =	vand.u32 $0xFFFFFC00, v29  }
0x40: {  	v30 =	vand.u32 $0xFFFFFC00, v30;
	v31 =	vand.u32 $0xFFFFFC00, v31;
	v34 =	vand.u32 $0xFFFFFC00, v34  }
0x41: {  	v35 =	vand.u32 $0xFFFFFC00, v35;
	v36 =	vand.u32 $0xFFFFFC00, v36;
	v39 =	vand.u32 $0xFFFFFC00, v39  }
0x42: {  	v40 =	vand.u32 $0xFFFFFC00, v40;
	v41 =	vand.u32 $0xFFFFFC00, v41;
	v42 =	vand.u32 $0xFFFFFC00, v42  }
0x43: {  	v43 =	vand.u32 $0xFFFFFC00, v43;
	v44 =	vand.u32 $0xFFFFFC00, v44;
	v45 =	vand.u32 $0xFFFFFC00, v45  }
0x44: {  	v46 =	vand.u32 $0xFFFFFC00, v46;
	v47 =	vand.u32 $0xFFFFFC00, v47;
	v0 =	vor.u32 v0, v14  }
0x45: {  	v1 =	vor.u32 v1, v15;
	v2 =	vor.u32 v2, v16;
	v3 =	vor.u32 v3, v19  }
0x46: {  	v4 =	vor.u32 v4, v20;
	v5 =	vor.u32 v5, v21;
	v6 =	vor.u32 v6, v24  }
0x47: {  	v7 =	vor.u32 v7, v25;
	v8 =	vor.u32 v8, v26;
	v9 =	vor.u32 v9, v29  }
0x48: {  	v10 =	vor.u32 v10, v30;
	v11 =	vor.u32 v11, v31;
	v14 =	vand.u32 $0x7F, v17  }
0x49: {  	v12 =	vor.u32 v12, v34;
	v13 =	vor.u32 v13, v35;
	v15 =	vand.u32 $0x7F, v18  }
0x4a: {  	v16 =	vand.u32 $0x7F, v22;
	v17 =	vand.u32 $0x7F, v23;
	v18 =	vand.u32 $0x7F, v27  }
0x4b: {  	v19 =	vand.u32 $0x7F, v28;
	v20 =	vand.u32 $0x7F, v32;
	v21 =	vand.u32 $0x7F, v33  }
0x4c: {  	v22 =	vand.u32 $0x7F, v37;
	v23 =	vand.u32 $0x7F, v38;
	v14 =	vor.u32 v14, v36  }
0x4d: {  	v15 =	vor.u32 v15, v39;
	v16 =	vor.u32 v16, v40;
	v23 =	vor.u32 v23, v47  }
0x4e: {  	v17 =	vor.u32 v17, v41;
	v18 =	vor.u32 v18, v42;
	v19 =	vor.u32 v19, v43  }
0x4f: {  	s23 =	simm.s32 $0x0;
	v20 =	vor.u32 v20, v44;
	v21 =	vor.u32 v21, v45;
	v22 =	vor.u32 v22, v46  }
.LBB2_2:
0x50: {  	p0 =	seq.s32 s23, $0x0  }
0x51: {  	s0 =	simm.s32 @!p0 $0x3  }
0x52: {  	_ =	swait.ge @!p0 [sflag:s0], $0x6000  }
0x53: {  	s26 =	simm.s32 $0x0;
	[sflag:s0] =	ssyncset.done @!p0 $0x0  }
0x54: {  	s2 =	simm.s32 $0x0;
	[sflag:s0] =	ssyncadd.s32 @!p0 $0xFFFFA000;
	s0 =	smul.u32 $0xC00, s26  }
0x55: {  	s2 =	sand.u32 $0x200, s2;
	_ =	swait.ge [sflag:s16], $0x6000  }
0x56: {  	[sflag:s16] =	ssyncset.done $0x0;
	s24 =	sor.u32 s2, s0  }
0x57: {  	[sflag:s16] =	ssyncadd.s32 $0xFFFFA000;
	s0 =	sor.u32 $0x180, s24  }
0x58: {  	v25 =	vld.idx.msk [tilespmem:v0+s0+$0x0], $0xffff  }
0x59: {  	s31 =	sor.u32 $0x80, s24;
	v24 =	vld.idx.msk [tilespmem:v0+s24+$0x0], $0xffff  }
0x5a: {  	v26 =	vld.idx.msk [tilespmem:v0+s31+$0x0], $0xffff;
	_ =	sdelay $0x1  }
0x5b: {  	s2 =	sor.u32 $0x100, s24  }
0x5c: {  	v27 =	vld.idx.msk [tilespmem:v0+s2+$0x0], $0xffff;
	[tilespmem:s24+$0xC180] =	vst v25  }
0x5d: {  	[tilespmem:s24+$0xC000] =	vst v24;
	v25 =	vld.idx.msk [tilespmem:v1+s0+$0x0], $0xffff  }
0x5e: {  	[tilespmem:s24+$0xC080] =	vst v26;
	v24 =	vld.idx.msk [tilespmem:v1+s24+$0x0], $0xffff  }
0x5f: {  	v26 =	vld.idx.msk [tilespmem:v1+s31+$0x0], $0xffff;
	_ =	sdelay $0x1  }
0x60: {  	[tilespmem:s24+$0xC100] =	vst v27  }
0x61: {  	v27 =	vld.idx.msk [tilespmem:v1+s2+$0x0], $0xffff;
	[tilespmem:s24+$0xC190] =	vst v25  }
0x62: {  	[tilespmem:s24+$0xC010] =	vst v24;
	v25 =	vld.idx.msk [tilespmem:v2+s0+$0x0], $0xffff  }
0x63: {  	[tilespmem:s24+$0xC090] =	vst v26;
	v24 =	vld.idx.msk [tilespmem:v2+s24+$0x0], $0xffff  }
0x64: {  	v26 =	vld.idx.msk [tilespmem:v2+s31+$0x0], $0xffff;
	_ =	sdelay $0x1  }
0x65: {  	[tilespmem:s24+$0xC110] =	vst v27  }
0x66: {  	v27 =	vld.idx.msk [tilespmem:v2+s2+$0x0], $0xffff;
	[tilespmem:s24+$0xC1A0] =	vst v25  }
0x67: {  	[tilespmem:s24+$0xC020] =	vst v24;
	v25 =	vld.idx.msk [tilespmem:v3+s0+$0x0], $0xffff  }
0x68: {  	[tilespmem:s24+$0xC0A0] =	vst v26;
	v24 =	vld.idx.msk [tilespmem:v3+s24+$0x0], $0xffff  }
0x69: {  	v26 =	vld.idx.msk [tilespmem:v3+s31+$0x0], $0xffff;
	_ =	sdelay $0x1  }
0x6a: {  	[tilespmem:s24+$0xC120] =	vst v27  }
0x6b: {  	v27 =	vld.idx.msk [tilespmem:v3+s2+$0x0], $0xffff;
	[tilespmem:s24+$0xC1B0] =	vst v25  }
0x6c: {  	[tilespmem:s24+$0xC030] =	vst v24;
	v25 =	vld.idx.msk [tilespmem:v4+s0+$0x0], $0xffff  }
0x6d: {  	[tilespmem:s24+$0xC0B0] =	vst v26;
	v24 =	vld.idx.msk [tilespmem:v4+s24+$0x0], $0xffff  }
0x6e: {  	v26 =	vld.idx.msk [tilespmem:v4+s31+$0x0], $0xffff;
	_ =	sdelay $0x1  }
0x6f: {  	[tilespmem:s24+$0xC130] =	vst v27  }
0x70: {  	v27 =	vld.idx.msk [tilespmem:v4+s2+$0x0], $0xffff;
	[tilespmem:s24+$0xC1C0] =	vst v25  }
0x71: {  	[tilespmem:s24+$0xC040] =	vst v24;
	v25 =	vld.idx.msk [tilespmem:v5+s0+$0x0], $0xffff  }
0x72: {  	[tilespmem:s24+$0xC0C0] =	vst v26;
	v24 =	vld.idx.msk [tilespmem:v5+s24+$0x0], $0xffff  }
0x73: {  	v26 =	vld.idx.msk [tilespmem:v5+s31+$0x0], $0xffff;
	_ =	sdelay $0x1  }
0x74: {  	[tilespmem:s24+$0xC140] =	vst v27  }
0x75: {  	v27 =	vld.idx.msk [tilespmem:v5+s2+$0x0], $0xffff;
	[tilespmem:s24+$0xC1D0] =	vst v25  }
0x76: {  	[tilespmem:s24+$0xC050] =	vst v24;
	v25 =	vld.idx.msk [tilespmem:v6+s0+$0x0], $0xffff  }
0x77: {  	[tilespmem:s24+$0xC0D0] =	vst v26;
	v24 =	vld.idx.msk [tilespmem:v6+s24+$0x0], $0xffff  }
0x78: {  	v26 =	vld.idx.msk [tilespmem:v6+s31+$0x0], $0xffff;
	_ =	sdelay $0x1  }
0x79: {  	[tilespmem:s24+$0xC150] =	vst v27  }
0x7a: {  	s3 =	simm.s32 $0x0;
	v27 =	vld.idx.msk [tilespmem:v6+s2+$0x0], $0xffff;
	[tilespmem:s24+$0xC1E0] =	vst v25  }
0x7b: {  	s30 =	simm.s32 $0x200;
	s3 =	smul.u32 $0xC00, s3;
	[tilespmem:s24+$0xC060] =	vst v24;
	v25 =	vld.idx.msk [tilespmem:v7+s0+$0x0], $0xffff  }
0x7c: {  	s25 =	sand.u32 $0x200, s30;
	[tilespmem:s24+$0xC0E0] =	vst v26;
	v24 =	vld.idx.msk [tilespmem:v7+s24+$0x0], $0xffff  }
0x7d: {  	s25 =	sor.u32 s25, s3;
	v26 =	vld.idx.msk [tilespmem:v7+s31+$0x0], $0xffff  }
0x7e: {  	s26 =	sor.u32 $0x180, s25;
	v28 =	vld.idx.msk [tilespmem:v0+s25+$0x0], $0xffff  }
0x7f: {  	v29 =	vld.idx.msk [tilespmem:v0+s26+$0x0], $0xffff;
	[tilespmem:s24+$0xC160] =	vst v27  }
0x80: {  	v27 =	vld.idx.msk [tilespmem:v7+s2+$0x0], $0xffff;
	[tilespmem:s24+$0xC1F0] =	vst v25  }
0x81: {  	[tilespmem:s24+$0xC070] =	vst v24;
	v25 =	vld.idx.msk [tilespmem:v8+s0+$0x0], $0xffff  }
0x82: {  	[tilespmem:s24+$0xC0F0] =	vst v26;
	v24 =	vld.idx.msk [tilespmem:v8+s24+$0x0], $0xffff  }
0x83: {  	s28 =	sor.u32 $0x80, s25;
	[tilespmem:s25+$0xC000] =	vst v28;
	v26 =	vld.idx.msk [tilespmem:v8+s31+$0x0], $0xffff  }
0x84: {  	v30 =	vld.idx.msk [tilespmem:v0+s28+$0x0], $0xffff;
	[tilespmem:s25+$0xC180] =	vst v29  }
0x85: {  	v28 =	vld.idx.msk [tilespmem:v1+s25+$0x0], $0xffff;
	[tilespmem:s24+$0xC170] =	vst v27  }
0x86: {  	v27 =	vld.idx.msk [tilespmem:v8+s2+$0x0], $0xffff;
	[tilespmem:s24+$0xC580] =	vst v25  }
0x87: {  	[tilespmem:s24+$0xC400] =	vst v24;
	v25 =	vld.idx.msk [tilespmem:v9+s0+$0x0], $0xffff  }
0x88: {  	[tilespmem:s24+$0xC480] =	vst v26;
	v24 =	vld.idx.msk [tilespmem:v9+s24+$0x0], $0xffff  }
0x89: {  	[tilespmem:s25+$0xC080] =	vst v30;
	v26 =	vld.idx.msk [tilespmem:v9+s31+$0x0], $0xffff  }
0x8a: {  	v29 =	vld.idx.msk [tilespmem:v1+s26+$0x0], $0xffff;
	[tilespmem:s25+$0xC010] =	vst v28  }
0x8b: {  	v30 =	vld.idx.msk [tilespmem:v1+s28+$0x0], $0xffff;
	[tilespmem:s24+$0xC500] =	vst v27  }
0x8c: {  	v27 =	vld.idx.msk [tilespmem:v9+s2+$0x0], $0xffff;
	[tilespmem:s24+$0xC590] =	vst v25  }
0x8d: {  	[tilespmem:s24+$0xC410] =	vst v24;
	v25 =	vld.idx.msk [tilespmem:v10+s0+$0x0], $0xffff  }
0x8e: {  	[tilespmem:s24+$0xC490] =	vst v26;
	v24 =	vld.idx.msk [tilespmem:v10+s24+$0x0], $0xffff  }
0x8f: {  	[tilespmem:s25+$0xC190] =	vst v29;
	v26 =	vld.idx.msk [tilespmem:v10+s31+$0x0], $0xffff  }
0x90: {  	[tilespmem:s25+$0xC090] =	vst v30;
	v28 =	vld.idx.msk [tilespmem:v2+s25+$0x0], $0xffff  }
0x91: {  	v29 =	vld.idx.msk [tilespmem:v2+s26+$0x0], $0xffff;
	[tilespmem:s24+$0xC510] =	vst v27  }
0x92: {  	v27 =	vld.idx.msk [tilespmem:v10+s2+$0x0], $0xffff;
	[tilespmem:s24+$0xC5A0] =	vst v25  }
0x93: {  	[tilespmem:s24+$0xC420] =	vst v24;
	v25 =	vld.idx.msk [tilespmem:v11+s0+$0x0], $0xffff  }
0x94: {  	[tilespmem:s24+$0xC4A0] =	vst v26;
	v24 =	vld.idx.msk [tilespmem:v11+s24+$0x0], $0xffff  }
0x95: {  	[tilespmem:s25+$0xC020] =	vst v28;
	v26 =	vld.idx.msk [tilespmem:v11+s31+$0x0], $0xffff  }
0x96: {  	v30 =	vld.idx.msk [tilespmem:v2+s28+$0x0], $0xffff;
	[tilespmem:s25+$0xC1A0] =	vst v29  }
0x97: {  	v28 =	vld.idx.msk [tilespmem:v3+s25+$0x0], $0xffff;
	[tilespmem:s24+$0xC520] =	vst v27  }
0x98: {  	v27 =	vld.idx.msk [tilespmem:v11+s2+$0x0], $0xffff;
	[tilespmem:s24+$0xC5B0] =	vst v25  }
0x99: {  	[tilespmem:s24+$0xC430] =	vst v24;
	v25 =	vld.idx.msk [tilespmem:v12+s0+$0x0], $0xffff  }
0x9a: {  	[tilespmem:s24+$0xC4B0] =	vst v26;
	v24 =	vld.idx.msk [tilespmem:v12+s24+$0x0], $0xffff  }
0x9b: {  	[tilespmem:s25+$0xC0A0] =	vst v30;
	v26 =	vld.idx.msk [tilespmem:v12+s31+$0x0], $0xffff  }
0x9c: {  	v29 =	vld.idx.msk [tilespmem:v3+s26+$0x0], $0xffff;
	[tilespmem:s25+$0xC030] =	vst v28  }
0x9d: {  	v30 =	vld.idx.msk [tilespmem:v3+s28+$0x0], $0xffff;
	[tilespmem:s24+$0xC530] =	vst v27  }
0x9e: {  	v27 =	vld.idx.msk [tilespmem:v12+s2+$0x0], $0xffff;
	[tilespmem:s24+$0xC5C0] =	vst v25  }
0x9f: {  	[tilespmem:s24+$0xC440] =	vst v24;
	v25 =	vld.idx.msk [tilespmem:v13+s0+$0x0], $0xffff  }
0xa0: {  	[tilespmem:s24+$0xC4C0] =	vst v26;
	v24 =	vld.idx.msk [tilespmem:v13+s24+$0x0], $0xffff  }
0xa1: {  	[tilespmem:s25+$0xC1B0] =	vst v29;
	v26 =	vld.idx.msk [tilespmem:v13+s31+$0x0], $0xffff  }
0xa2: {  	[tilespmem:s25+$0xC0B0] =	vst v30;
	v28 =	vld.idx.msk [tilespmem:v4+s25+$0x0], $0xffff  }
0xa3: {  	v29 =	vld.idx.msk [tilespmem:v4+s26+$0x0], $0xffff;
	[tilespmem:s24+$0xC540] =	vst v27  }
0xa4: {  	s29 =	sor.u32 $0x100, s25;
	v27 =	vld.idx.msk [tilespmem:v13+s2+$0x0], $0xffff;
	[tilespmem:s24+$0xC5D0] =	vst v25  }
0xa5: {  	[tilespmem:s24+$0xC450] =	vst v24;
	v25 =	vld.idx.msk [tilespmem:v0+s29+$0x0], $0xffff  }
0xa6: {  	[tilespmem:s24+$0xC4D0] =	vst v26;
	v24 =	vld.idx.msk [tilespmem:v14+s0+$0x0], $0xffff  }
0xa7: {  	[tilespmem:s25+$0xC040] =	vst v28;
	v26 =	vld.idx.msk [tilespmem:v14+s31+$0x0], $0xffff  }
0xa8: {  	v30 =	vld.idx.msk [tilespmem:v4+s28+$0x0], $0xffff;
	[tilespmem:s25+$0xC1C0] =	vst v29  }
0xa9: {  	v28 =	vld.idx.msk [tilespmem:v5+s25+$0x0], $0xffff;
	[tilespmem:s24+$0xC550] =	vst v27  }
0xaa: {  	v27 =	vld.idx.msk [tilespmem:v14+s2+$0x0], $0xffff;
	[tilespmem:s25+$0xC100] =	vst v25  }
0xab: {  	[tilespmem:s24+$0xC5E0] =	vst v24;
	v25 =	vld.idx.msk [tilespmem:v1+s29+$0x0], $0xffff  }
0xac: {  	[tilespmem:s24+$0xC4E0] =	vst v26;
	v26 =	vld.idx.msk [tilespmem:v14+s24+$0x0], $0xffff  }
0xad: {  	[tilespmem:s25+$0xC0C0] =	vst v30;
	v24 =	vld.idx.msk [tilespmem:v15+s0+$0x0], $0xffff  }
0xae: {  	v29 =	vld.idx.msk [tilespmem:v5+s26+$0x0], $0xffff;
	[tilespmem:s25+$0xC050] =	vst v28  }
0xaf: {  	v30 =	vld.idx.msk [tilespmem:v5+s28+$0x0], $0xffff;
	[tilespmem:s24+$0xC560] =	vst v27  }
0xb0: {  	v27 =	vld.idx.msk [tilespmem:v15+s31+$0x0], $0xffff;
	[tilespmem:s25+$0xC110] =	vst v25  }
0xb1: {  	[tilespmem:s24+$0xC460] =	vst v26;
	v26 =	vld.idx.msk [tilespmem:v15+s2+$0x0], $0xffff  }
0xb2: {  	[tilespmem:s24+$0xC5F0] =	vst v24;
	v25 =	vld.idx.msk [tilespmem:v2+s29+$0x0], $0xffff  }
0xb3: {  	[tilespmem:s25+$0xC1D0] =	vst v29;
	v24 =	vld.idx.msk [tilespmem:v16+s0+$0x0], $0xffff  }
0xb4: {  	[tilespmem:s25+$0xC0D0] =	vst v30;
	v28 =	vld.idx.msk [tilespmem:v6+s25+$0x0], $0xffff  }
0xb5: {  	v29 =	vld.idx.msk [tilespmem:v6+s26+$0x0], $0xffff;
	[tilespmem:s24+$0xC4F0] =	vst v27  }
0xb6: {  	v27 =	vld.idx.msk [tilespmem:v15+s24+$0x0], $0xffff;
	[tilespmem:s24+$0xC570] =	vst v26  }
0xb7: {  	v26 =	vld.idx.msk [tilespmem:v16+s31+$0x0], $0xffff;
	[tilespmem:s25+$0xC120] =	vst v25  }
0xb8: {  	[tilespmem:s24+$0xC980] =	vst v24;
	v25 =	vld.idx.msk [tilespmem:v3+s29+$0x0], $0xffff  }
0xb9: {  	[tilespmem:s25+$0xC060] =	vst v28;
	v24 =	vld.idx.msk [tilespmem:v17+s0+$0x0], $0xffff  }
0xba: {  	v30 =	vld.idx.msk [tilespmem:v6+s28+$0x0], $0xffff;
	[tilespmem:s25+$0xC1E0] =	vst v29  }
0xbb: {  	v28 =	vld.idx.msk [tilespmem:v7+s25+$0x0], $0xffff;
	[tilespmem:s24+$0xC470] =	vst v27  }
0xbc: {  	v27 =	vld.idx.msk [tilespmem:v16+s2+$0x0], $0xffff;
	[tilespmem:s24+$0xC880] =	vst v26  }
0xbd: {  	v26 =	vld.idx.msk [tilespmem:v16+s24+$0x0], $0xffff;
	[tilespmem:s25+$0xC130] =	vst v25  }
0xbe: {  	[tilespmem:s24+$0xC990] =	vst v24;
	v25 =	vld.idx.msk [tilespmem:v4+s29+$0x0], $0xffff  }
0xbf: {  	[tilespmem:s25+$0xC0E0] =	vst v30;
	v24 =	vld.idx.msk [tilespmem:v18+s0+$0x0], $0xffff  }
0xc0: {  	v29 =	vld.idx.msk [tilespmem:v7+s26+$0x0], $0xffff;
	[tilespmem:s25+$0xC070] =	vst v28  }
0xc1: {  	v30 =	vld.idx.msk [tilespmem:v7+s28+$0x0], $0xffff;
	[tilespmem:s24+$0xC900] =	vst v27  }
0xc2: {  	v27 =	vld.idx.msk [tilespmem:v17+s31+$0x0], $0xffff;
	[tilespmem:s24+$0xC800] =	vst v26  }
0xc3: {  	v26 =	vld.idx.msk [tilespmem:v17+s2+$0x0], $0xffff;
	[tilespmem:s25+$0xC140] =	vst v25  }
0xc4: {  	[tilespmem:s24+$0xC9A0] =	vst v24;
	v25 =	vld.idx.msk [tilespmem:v5+s29+$0x0], $0xffff  }
0xc5: {  	[tilespmem:s25+$0xC1F0] =	vst v29;
	v24 =	vld.idx.msk [tilespmem:v19+s0+$0x0], $0xffff  }
0xc6: {  	[tilespmem:s25+$0xC0F0] =	vst v30;
	v28 =	vld.idx.msk [tilespmem:v8+s25+$0x0], $0xffff  }
0xc7: {  	v29 =	vld.idx.msk [tilespmem:v8+s26+$0x0], $0xffff;
	[tilespmem:s24+$0xC890] =	vst v27  }
0xc8: {  	v27 =	vld.idx.msk [tilespmem:v17+s24+$0x0], $0xffff;
	[tilespmem:s24+$0xC910] =	vst v26  }
0xc9: {  	v26 =	vld.idx.msk [tilespmem:v18+s31+$0x0], $0xffff;
	[tilespmem:s25+$0xC150] =	vst v25  }
0xca: {  	[tilespmem:s24+$0xC9B0] =	vst v24;
	v25 =	vld.idx.msk [tilespmem:v6+s29+$0x0], $0xffff  }
0xcb: {  	[tilespmem:s25+$0xC400] =	vst v28;
	v24 =	vld.idx.msk [tilespmem:v20+s0+$0x0], $0xffff  }
0xcc: {  	v30 =	vld.idx.msk [tilespmem:v8+s28+$0x0], $0xffff;
	[tilespmem:s25+$0xC580] =	vst v29  }
0xcd: {  	v28 =	vld.idx.msk [tilespmem:v9+s25+$0x0], $0xffff;
	[tilespmem:s24+$0xC810] =	vst v27  }
0xce: {  	v27 =	vld.idx.msk [tilespmem:v18+s2+$0x0], $0xffff;
	[tilespmem:s24+$0xC8A0] =	vst v26  }
0xcf: {  	v26 =	vld.idx.msk [tilespmem:v18+s24+$0x0], $0xffff;
	[tilespmem:s25+$0xC160] =	vst v25  }
0xd0: {  	[tilespmem:s24+$0xC9C0] =	vst v24;
	v25 =	vld.idx.msk [tilespmem:v7+s29+$0x0], $0xffff  }
0xd1: {  	[tilespmem:s25+$0xC480] =	vst v30;
	v24 =	vld.idx.msk [tilespmem:v21+s0+$0x0], $0xffff  }
0xd2: {  	v29 =	vld.idx.msk [tilespmem:v9+s26+$0x0], $0xffff;
	[tilespmem:s25+$0xC410] =	vst v28  }
0xd3: {  	v30 =	vld.idx.msk [tilespmem:v9+s28+$0x0], $0xffff;
	[tilespmem:s24+$0xC920] =	vst v27  }
0xd4: {  	v27 =	vld.idx.msk [tilespmem:v19+s31+$0x0], $0xffff;
	[tilespmem:s24+$0xC820] =	vst v26  }
0xd5: {  	v26 =	vld.idx.msk [tilespmem:v19+s2+$0x0], $0xffff;
	[tilespmem:s25+$0xC170] =	vst v25  }
0xd6: {  	[tilespmem:s24+$0xC9D0] =	vst v24;
	v25 =	vld.idx.msk [tilespmem:v8+s29+$0x0], $0xffff  }
0xd7: {  	[tilespmem:s25+$0xC590] =	vst v29;
	v24 =	vld.idx.msk [tilespmem:v22+s0+$0x0], $0xffff  }
0xd8: {  	[tilespmem:s25+$0xC490] =	vst v30;
	v28 =	vld.idx.msk [tilespmem:v10+s25+$0x0], $0xffff  }
0xd9: {  	v29 =	vld.idx.msk [tilespmem:v10+s26+$0x0], $0xffff;
	[tilespmem:s24+$0xC8B0] =	vst v27  }
0xda: {  	v27 =	vld.idx.msk [tilespmem:v19+s24+$0x0], $0xffff;
	[tilespmem:s24+$0xC930] =	vst v26  }
0xdb: {  	v26 =	vld.idx.msk [tilespmem:v20+s31+$0x0], $0xffff;
	[tilespmem:s25+$0xC500] =	vst v25  }
0xdc: {  	[tilespmem:s24+$0xC9E0] =	vst v24;
	v25 =	vld.idx.msk [tilespmem:v9+s29+$0x0], $0xffff  }
0xdd: {  	[tilespmem:s25+$0xC420] =	vst v28;
	v24 =	vld.idx.msk [tilespmem:v23+s0+$0x0], $0xffff  }
0xde: {  	v30 =	vld.idx.msk [tilespmem:v10+s28+$0x0], $0xffff;
	[tilespmem:s25+$0xC5A0] =	vst v29  }
0xdf: {  	[tilespmem:s24+$0xC830] =	vst v27;
	v27 =	vld.idx.msk [tilespmem:v20+s2+$0x0], $0xffff  }
0xe0: {  	v28 =	vld.idx.msk [tilespmem:v11+s25+$0x0], $0xffff;
	[tilespmem:s24+$0xC8C0] =	vst v26  }
0xe1: {  	v26 =	vld.idx.msk [tilespmem:v21+s31+$0x0], $0xffff;
	[tilespmem:s25+$0xC510] =	vst v25  }
0xe2: {  	[tilespmem:s24+$0xC9F0] =	vst v24;
	v24 =	vld.idx.msk [tilespmem:v20+s24+$0x0], $0xffff  }
0xe3: {  	[tilespmem:s25+$0xC4A0] =	vst v30;
	v25 =	vld.idx.msk [tilespmem:v10+s29+$0x0], $0xffff  }
0xe4: {  	v29 =	vld.idx.msk [tilespmem:v11+s26+$0x0], $0xffff;
	[tilespmem:s24+$0xC940] =	vst v27  }
0xe5: {  	[tilespmem:s25+$0xC430] =	vst v28;
	v27 =	vld.idx.msk [tilespmem:v21+s2+$0x0], $0xffff  }
0xe6: {  	v30 =	vld.idx.msk [tilespmem:v11+s28+$0x0], $0xffff;
	[tilespmem:s24+$0xC8D0] =	vst v26  }
0xe7: {  	v31 =	vld.idx.msk [tilespmem:v22+s31+$0x0], $0xffff;
	[tilespmem:s24+$0xC840] =	vst v24  }
0xe8: {  	[tilespmem:s25+$0xC520] =	vst v25;
	v24 =	vld.idx.msk [tilespmem:v21+s24+$0x0], $0xffff  }
0xe9: {  	[tilespmem:s25+$0xC5B0] =	vst v29;
	v25 =	vld.idx.msk [tilespmem:v11+s29+$0x0], $0xffff  }
0xea: {  	v33 =	vld.idx.msk [tilespmem:v12+s25+$0x0], $0xffff;
	[tilespmem:s24+$0xC950] =	vst v27  }
0xeb: {  	[tilespmem:s25+$0xC4B0] =	vst v30;
	v32 =	vld.idx.msk [tilespmem:v22+s2+$0x0], $0xffff  }
0xec: {  	v29 =	vld.idx.msk [tilespmem:v12+s26+$0x0], $0xffff;
	[tilespmem:s24+$0xC8E0] =	vst v31  }
0xed: {  	v28 =	vld.idx.msk [tilespmem:v12+s28+$0x0], $0xffff;
	[tilespmem:s24+$0xC850] =	vst v24  }
0xee: {  	[tilespmem:s25+$0xC530] =	vst v25;
	v25 =	vld.idx.msk [tilespmem:v23+s31+$0x0], $0xffff  }
0xef: {  	v26 =	vld.idx.msk [tilespmem:v22+s24+$0x0], $0xffff  }
0xf0: {  	[tilespmem:s24+$0xC960] =	vst v32;
	v27 =	vld.idx.msk [tilespmem:v12+s29+$0x0], $0xffff  }
0xf1: {  	[tilespmem:s25+$0xC440] =	vst v33;
	s31 =	simm.s32 $0x4;
	v24 =	vld.idx.msk [tilespmem:v23+s2+$0x0], $0xffff  }
.LBB2_3:
0xf2: {  	s31 =	sadd.s32 $0x4, s31;
	v30 =	vld.idx.msk [tilespmem:v13+s25+$0x0], $0xffff;
	[tilespmem:s25+$0xC5C0] =	vst v29  }
0xf3: {  	s0 =	sshrl.u32 s31, $0x3;
	p0 =	slt.u32 s31, $0x3C;
	[tilespmem:s25+$0xC4C0] =	vst v28;
	v28 =	vld.idx.msk [tilespmem:v13+s26+$0x0], $0xffff  }
0xf4: {  	s30 =	sadd.s32 $0x200, s30;
	s0 =	smul.u32 $0xC00, s0;
	v29 =	vld.idx.msk [tilespmem:v13+s28+$0x0], $0xffff;
	[tilespmem:s24+$0xC860] =	vst v26  }
0xf5: {  	s2 =	sand.u32 $0x200, s30;
	[tilespmem:s25+$0xC540] =	vst v27;
	v26 =	vld.idx.msk [tilespmem:v23+s24+$0x0], $0xffff  }
0xf6: {  	s14 =	sor.u32 s2, s0;
	v27 =	vld.idx.msk [tilespmem:v13+s29+$0x0], $0xffff;
	[tilespmem:s24+$0xC8F0] =	vst v25  }
0xf7: {  	v25 =	vld.idx.msk [tilespmem:v0+s14+$0x0], $0xffff;
	s0 =	sor.u32 $0x80, s14;
	s2 =	sor.u32 $0x100, s14;
	s3 =	sor.u32 $0x180, s14;
	[tilespmem:s24+$0xC970] =	vst v24  }
0xf8: {  	v24 =	vld.idx.msk [tilespmem:v0+s3+$0x0], $0xffff;
	[tilespmem:s25+$0xC450] =	vst v30  }
0xf9: {  	v30 =	vld.idx.msk [tilespmem:v0+s0+$0x0], $0xffff;
	[tilespmem:s25+$0xC5D0] =	vst v28  }
0xfa: {  	[tilespmem:s25+$0xC4D0] =	vst v29;
	v28 =	vld.idx.msk [tilespmem:v14+s26+$0x0], $0xffff  }
0xfb: {  	v29 =	vld.idx.msk [tilespmem:v0+s2+$0x0], $0xffff;
	[tilespmem:s24+$0xC870] =	vst v26;
	s24 =	smov.u32 s25;
	s25 =	smov.u32 s14  }
0xfc: {  	v26 =	vld.idx.msk [tilespmem:v14+s28+$0x0], $0xffff;
	[tilespmem:s24+$0xC550] =	vst v27  }
0xfd: {  	[tilespmem:s25+$0xC000] =	vst v25;
	v25 =	vld.idx.msk [tilespmem:v14+s29+$0x0], $0xffff  }
0xfe: {  	v27 =	vld.idx.msk [tilespmem:v1+s25+$0x0], $0xffff;
	[tilespmem:s25+$0xC180] =	vst v24  }
0xff: {  	[tilespmem:s25+$0xC080] =	vst v30;
	v24 =	vld.idx.msk [tilespmem:v1+s3+$0x0], $0xffff  }
0x100: {  	v30 =	vld.idx.msk [tilespmem:v1+s0+$0x0], $0xffff;
	[tilespmem:s24+$0xC5E0] =	vst v28  }
0x101: {  	[tilespmem:s25+$0xC100] =	vst v29;
	v28 =	vld.idx.msk [tilespmem:v15+s26+$0x0], $0xffff  }
0x102: {  	v29 =	vld.idx.msk [tilespmem:v1+s2+$0x0], $0xffff;
	[tilespmem:s24+$0xC4E0] =	vst v26  }
0x103: {  	v26 =	vld.idx.msk [tilespmem:v14+s24+$0x0], $0xffff;
	[tilespmem:s24+$0xC560] =	vst v25  }
0x104: {  	[tilespmem:s25+$0xC010] =	vst v27;
	v25 =	vld.idx.msk [tilespmem:v15+s28+$0x0], $0xffff  }
0x105: {  	v27 =	vld.idx.msk [tilespmem:v2+s25+$0x0], $0xffff;
	[tilespmem:s25+$0xC190] =	vst v24  }
0x106: {  	[tilespmem:s25+$0xC090] =	vst v30;
	v24 =	vld.idx.msk [tilespmem:v2+s3+$0x0], $0xffff  }
0x107: {  	v30 =	vld.idx.msk [tilespmem:v2+s0+$0x0], $0xffff;
	[tilespmem:s24+$0xC5F0] =	vst v28  }
0x108: {  	[tilespmem:s25+$0xC110] =	vst v29;
	v28 =	vld.idx.msk [tilespmem:v16+s26+$0x0], $0xffff  }
0x109: {  	v29 =	vld.idx.msk [tilespmem:v2+s2+$0x0], $0xffff;
	[tilespmem:s24+$0xC460] =	vst v26  }
0x10a: {  	[tilespmem:s24+$0xC4F0] =	vst v25;
	v25 =	vld.idx.msk [tilespmem:v15+s29+$0x0], $0xffff  }
0x10b: {  	[tilespmem:s25+$0xC020] =	vst v27;
	v26 =	vld.idx.msk [tilespmem:v15+s24+$0x0], $0xffff  }
0x10c: {  	v27 =	vld.idx.msk [tilespmem:v3+s25+$0x0], $0xffff;
	[tilespmem:s25+$0xC1A0] =	vst v24  }
0x10d: {  	[tilespmem:s25+$0xC0A0] =	vst v30;
	v24 =	vld.idx.msk [tilespmem:v3+s3+$0x0], $0xffff  }
0x10e: {  	v30 =	vld.idx.msk [tilespmem:v3+s0+$0x0], $0xffff;
	[tilespmem:s24+$0xC980] =	vst v28  }
0x10f: {  	[tilespmem:s25+$0xC120] =	vst v29;
	v28 =	vld.idx.msk [tilespmem:v17+s26+$0x0], $0xffff  }
0x110: {  	v29 =	vld.idx.msk [tilespmem:v3+s2+$0x0], $0xffff;
	[tilespmem:s24+$0xC570] =	vst v25  }
0x111: {  	[tilespmem:s24+$0xC470] =	vst v26;
	v25 =	vld.idx.msk [tilespmem:v16+s28+$0x0], $0xffff  }
0x112: {  	[tilespmem:s25+$0xC030] =	vst v27;
	v26 =	vld.idx.msk [tilespmem:v16+s29+$0x0], $0xffff  }
0x113: {  	v27 =	vld.idx.msk [tilespmem:v4+s25+$0x0], $0xffff;
	[tilespmem:s25+$0xC1B0] =	vst v24  }
0x114: {  	[tilespmem:s25+$0xC0B0] =	vst v30;
	v24 =	vld.idx.msk [tilespmem:v4+s3+$0x0], $0xffff  }
0x115: {  	v30 =	vld.idx.msk [tilespmem:v4+s0+$0x0], $0xffff;
	[tilespmem:s24+$0xC990] =	vst v28  }
0x116: {  	[tilespmem:s25+$0xC130] =	vst v29;
	v28 =	vld.idx.msk [tilespmem:v18+s26+$0x0], $0xffff  }
0x117: {  	v29 =	vld.idx.msk [tilespmem:v4+s2+$0x0], $0xffff;
	[tilespmem:s24+$0xC880] =	vst v25  }
0x118: {  	v25 =	vld.idx.msk [tilespmem:v16+s24+$0x0], $0xffff;
	[tilespmem:s24+$0xC900] =	vst v26  }
0x119: {  	[tilespmem:s25+$0xC040] =	vst v27;
	v26 =	vld.idx.msk [tilespmem:v17+s28+$0x0], $0xffff  }
0x11a: {  	v27 =	vld.idx.msk [tilespmem:v5+s25+$0x0], $0xffff;
	[tilespmem:s25+$0xC1C0] =	vst v24  }
0x11b: {  	[tilespmem:s25+$0xC0C0] =	vst v30;
	v24 =	vld.idx.msk [tilespmem:v5+s3+$0x0], $0xffff  }
0x11c: {  	v30 =	vld.idx.msk [tilespmem:v5+s0+$0x0], $0xffff;
	[tilespmem:s24+$0xC9A0] =	vst v28  }
0x11d: {  	[tilespmem:s25+$0xC140] =	vst v29;
	v28 =	vld.idx.msk [tilespmem:v19+s26+$0x0], $0xffff  }
0x11e: {  	v29 =	vld.idx.msk [tilespmem:v5+s2+$0x0], $0xffff;
	[tilespmem:s24+$0xC800] =	vst v25  }
0x11f: {  	[tilespmem:s24+$0xC890] =	vst v26;
	v25 =	vld.idx.msk [tilespmem:v17+s29+$0x0], $0xffff  }
0x120: {  	[tilespmem:s25+$0xC050] =	vst v27;
	v26 =	vld.idx.msk [tilespmem:v17+s24+$0x0], $0xffff  }
0x121: {  	v27 =	vld.idx.msk [tilespmem:v6+s25+$0x0], $0xffff;
	[tilespmem:s25+$0xC1D0] =	vst v24  }
0x122: {  	[tilespmem:s25+$0xC0D0] =	vst v30;
	v24 =	vld.idx.msk [tilespmem:v6+s3+$0x0], $0xffff  }
0x123: {  	v30 =	vld.idx.msk [tilespmem:v6+s0+$0x0], $0xffff;
	[tilespmem:s24+$0xC9B0] =	vst v28  }
0x124: {  	[tilespmem:s25+$0xC150] =	vst v29;
	v28 =	vld.idx.msk [tilespmem:v20+s26+$0x0], $0xffff  }
0x125: {  	v29 =	vld.idx.msk [tilespmem:v6+s2+$0x0], $0xffff;
	[tilespmem:s24+$0xC910] =	vst v25  }
0x126: {  	[tilespmem:s24+$0xC810] =	vst v26;
	v25 =	vld.idx.msk [tilespmem:v18+s28+$0x0], $0xffff  }
0x127: {  	[tilespmem:s25+$0xC060] =	vst v27;
	v26 =	vld.idx.msk [tilespmem:v18+s29+$0x0], $0xffff  }
0x128: {  	v27 =	vld.idx.msk [tilespmem:v7+s25+$0x0], $0xffff;
	[tilespmem:s25+$0xC1E0] =	vst v24  }
0x129: {  	[tilespmem:s25+$0xC0E0] =	vst v30;
	v24 =	vld.idx.msk [tilespmem:v7+s3+$0x0], $0xffff  }
0x12a: {  	v30 =	vld.idx.msk [tilespmem:v7+s0+$0x0], $0xffff;
	[tilespmem:s24+$0xC9C0] =	vst v28  }
0x12b: {  	[tilespmem:s25+$0xC160] =	vst v29;
	v28 =	vld.idx.msk [tilespmem:v21+s26+$0x0], $0xffff  }
0x12c: {  	v29 =	vld.idx.msk [tilespmem:v7+s2+$0x0], $0xffff;
	[tilespmem:s24+$0xC8A0] =	vst v25  }
0x12d: {  	v25 =	vld.idx.msk [tilespmem:v18+s24+$0x0], $0xffff;
	[tilespmem:s24+$0xC920] =	vst v26  }
0x12e: {  	[tilespmem:s25+$0xC070] =	vst v27;
	v26 =	vld.idx.msk [tilespmem:v19+s28+$0x0], $0xffff  }
0x12f: {  	v27 =	vld.idx.msk [tilespmem:v8+s25+$0x0], $0xffff;
	[tilespmem:s25+$0xC1F0] =	vst v24  }
0x130: {  	[tilespmem:s25+$0xC0F0] =	vst v30;
	v24 =	vld.idx.msk [tilespmem:v8+s3+$0x0], $0xffff  }
0x131: {  	v30 =	vld.idx.msk [tilespmem:v8+s0+$0x0], $0xffff;
	[tilespmem:s24+$0xC9D0] =	vst v28  }
0x132: {  	[tilespmem:s25+$0xC170] =	vst v29;
	v28 =	vld.idx.msk [tilespmem:v22+s26+$0x0], $0xffff  }
0x133: {  	v29 =	vld.idx.msk [tilespmem:v8+s2+$0x0], $0xffff;
	[tilespmem:s24+$0xC820] =	vst v25  }
0x134: {  	[tilespmem:s24+$0xC8B0] =	vst v26;
	v25 =	vld.idx.msk [tilespmem:v19+s29+$0x0], $0xffff  }
0x135: {  	[tilespmem:s25+$0xC400] =	vst v27;
	v26 =	vld.idx.msk [tilespmem:v19+s24+$0x0], $0xffff  }
0x136: {  	v27 =	vld.idx.msk [tilespmem:v9+s25+$0x0], $0xffff;
	[tilespmem:s25+$0xC580] =	vst v24  }
0x137: {  	[tilespmem:s25+$0xC480] =	vst v30;
	v24 =	vld.idx.msk [tilespmem:v9+s3+$0x0], $0xffff  }
0x138: {  	v30 =	vld.idx.msk [tilespmem:v9+s0+$0x0], $0xffff;
	[tilespmem:s24+$0xC9E0] =	vst v28  }
0x139: {  	[tilespmem:s25+$0xC500] =	vst v29;
	v28 =	vld.idx.msk [tilespmem:v23+s26+$0x0], $0xffff;
	s26 =	smov.u32 s3  }
0x13a: {  	v29 =	vld.idx.msk [tilespmem:v9+s2+$0x0], $0xffff;
	[tilespmem:s24+$0xC930] =	vst v25  }
0x13b: {  	[tilespmem:s24+$0xC830] =	vst v26;
	v25 =	vld.idx.msk [tilespmem:v20+s28+$0x0], $0xffff  }
0x13c: {  	[tilespmem:s25+$0xC410] =	vst v27;
	v26 =	vld.idx.msk [tilespmem:v20+s29+$0x0], $0xffff  }
0x13d: {  	v27 =	vld.idx.msk [tilespmem:v10+s25+$0x0], $0xffff;
	[tilespmem:s25+$0xC590] =	vst v24  }
0x13e: {  	[tilespmem:s25+$0xC490] =	vst v30;
	v24 =	vld.idx.msk [tilespmem:v10+s26+$0x0], $0xffff  }
0x13f: {  	v30 =	vld.idx.msk [tilespmem:v10+s0+$0x0], $0xffff;
	[tilespmem:s24+$0xC9F0] =	vst v28  }
0x140: {  	[tilespmem:s25+$0xC510] =	vst v29;
	v28 =	vld.idx.msk [tilespmem:v20+s24+$0x0], $0xffff  }
0x141: {  	v29 =	vld.idx.msk [tilespmem:v10+s2+$0x0], $0xffff;
	[tilespmem:s24+$0xC8C0] =	vst v25  }
0x142: {  	v25 =	vld.idx.msk [tilespmem:v21+s28+$0x0], $0xffff;
	[tilespmem:s24+$0xC940] =	vst v26  }
0x143: {  	[tilespmem:s25+$0xC420] =	vst v27;
	v26 =	vld.idx.msk [tilespmem:v21+s29+$0x0], $0xffff  }
0x144: {  	v27 =	vld.idx.msk [tilespmem:v11+s25+$0x0], $0xffff;
	[tilespmem:s25+$0xC5A0] =	vst v24  }
0x145: {  	[tilespmem:s25+$0xC4A0] =	vst v30;
	v24 =	vld.idx.msk [tilespmem:v11+s26+$0x0], $0xffff  }
0x146: {  	v30 =	vld.idx.msk [tilespmem:v11+s0+$0x0], $0xffff;
	[tilespmem:s24+$0xC840] =	vst v28  }
0x147: {  	[tilespmem:s25+$0xC520] =	vst v29;
	v31 =	vld.idx.msk [tilespmem:v21+s24+$0x0], $0xffff  }
0x148: {  	v32 =	vld.idx.msk [tilespmem:v11+s2+$0x0], $0xffff;
	[tilespmem:s24+$0xC8D0] =	vst v25  }
0x149: {  	v25 =	vld.idx.msk [tilespmem:v22+s28+$0x0], $0xffff;
	[tilespmem:s24+$0xC950] =	vst v26  }
0x14a: {  	[tilespmem:s25+$0xC430] =	vst v27;
	v33 =	vld.idx.msk [tilespmem:v22+s29+$0x0], $0xffff  }
0x14b: {  	v34 =	vld.idx.msk [tilespmem:v12+s25+$0x0], $0xffff;
	[tilespmem:s25+$0xC5B0] =	vst v24  }
0x14c: {  	[tilespmem:s25+$0xC4B0] =	vst v30;
	v29 =	vld.idx.msk [tilespmem:v12+s26+$0x0], $0xffff  }
.Ltmp2:
0x14d: {  	v28 =	vld.idx.msk [tilespmem:v12+s0+$0x0], $0xffff;
	[tilespmem:s24+$0xC850] =	vst v31;
	(pc) =	sbr.rel @p0 .LBB2_3-.Ltmp2, $4  }
0x14e: {  	[tilespmem:s25+$0xC530] =	vst v32;
	v26 =	vld.idx.msk [tilespmem:v22+s24+$0x0], $0xffff  }
0x14f: {  	v27 =	vld.idx.msk [tilespmem:v12+s2+$0x0], $0xffff;
	[tilespmem:s24+$0xC8E0] =	vst v25  }
0x150: {  	v25 =	vld.idx.msk [tilespmem:v23+s28+$0x0], $0xffff;
	[tilespmem:s24+$0xC960] =	vst v33;
	s28 =	smov.u32 s0  }
0x151: {  	[tilespmem:s25+$0xC440] =	vst v34;
	v24 =	vld.idx.msk [tilespmem:v23+s29+$0x0], $0xffff;
	s29 =	smov.u32 s2  }
0x152: {  	_ =	sdelay $0x3  }
0x153: {  	[tilespmem:s25+$0xC5C0] =	vst v29;
	v30 =	vld.idx.msk [tilespmem:v13+s25+$0x0], $0xffff  }
0x154: {  	[tilespmem:s25+$0xC4C0] =	vst v28;
	v28 =	vld.idx.msk [tilespmem:v13+s26+$0x0], $0xffff  }
0x155: {  	v29 =	vld.idx.msk [tilespmem:v13+s28+$0x0], $0xffff;
	[tilespmem:s25+$0xC540] =	vst v27  }
0x156: {  	v27 =	vld.idx.msk [tilespmem:v13+s29+$0x0], $0xffff;
	_ =	sdelay $0x1  }
0x157: {  	[tilespmem:s25+$0xC450] =	vst v30  }
0x158: {  	[tilespmem:s25+$0xC5D0] =	vst v28;
	v30 =	vld.idx.msk [tilespmem:v14+s25+$0x0], $0xffff  }
0x159: {  	[tilespmem:s25+$0xC4D0] =	vst v29;
	v28 =	vld.idx.msk [tilespmem:v14+s26+$0x0], $0xffff  }
0x15a: {  	v29 =	vld.idx.msk [tilespmem:v14+s28+$0x0], $0xffff;
	[tilespmem:s25+$0xC550] =	vst v27  }
0x15b: {  	v27 =	vld.idx.msk [tilespmem:v14+s29+$0x0], $0xffff;
	_ =	sdelay $0x1  }
0x15c: {  	[tilespmem:s25+$0xC460] =	vst v30  }
0x15d: {  	[tilespmem:s25+$0xC5E0] =	vst v28;
	v30 =	vld.idx.msk [tilespmem:v15+s25+$0x0], $0xffff  }
0x15e: {  	[tilespmem:s25+$0xC4E0] =	vst v29;
	v28 =	vld.idx.msk [tilespmem:v15+s26+$0x0], $0xffff  }
0x15f: {  	[tilespmem:s25+$0xC560] =	vst v27;
	v27 =	vld.idx.msk [tilespmem:v15+s28+$0x0], $0xffff  }
0x160: {  	v29 =	vld.idx.msk [tilespmem:v15+s29+$0x0], $0xffff;
	_ =	sdelay $0x1  }
0x161: {  	[tilespmem:s25+$0xC470] =	vst v30  }
0x162: {  	[tilespmem:s25+$0xC5F0] =	vst v28;
	v30 =	vld.idx.msk [tilespmem:v16+s25+$0x0], $0xffff  }
0x163: {  	v28 =	vld.idx.msk [tilespmem:v16+s26+$0x0], $0xffff;
	[tilespmem:s25+$0xC4F0] =	vst v27  }
0x164: {  	[tilespmem:s25+$0xC570] =	vst v29;
	v27 =	vld.idx.msk [tilespmem:v16+s28+$0x0], $0xffff  }
0x165: {  	v29 =	vld.idx.msk [tilespmem:v16+s29+$0x0], $0xffff;
	_ =	sdelay $0x1  }
0x166: {  	[tilespmem:s25+$0xC800] =	vst v30  }
0x167: {  	[tilespmem:s25+$0xC980] =	vst v28;
	v30 =	vld.idx.msk [tilespmem:v17+s25+$0x0], $0xffff  }
0x168: {  	v28 =	vld.idx.msk [tilespmem:v17+s26+$0x0], $0xffff;
	[tilespmem:s25+$0xC880] =	vst v27  }
0x169: {  	[tilespmem:s25+$0xC900] =	vst v29;
	v27 =	vld.idx.msk [tilespmem:v17+s28+$0x0], $0xffff  }
0x16a: {  	v29 =	vld.idx.msk [tilespmem:v17+s29+$0x0], $0xffff;
	_ =	sdelay $0x1  }
0x16b: {  	[tilespmem:s25+$0xC810] =	vst v30  }
0x16c: {  	[tilespmem:s25+$0xC990] =	vst v28;
	v30 =	vld.idx.msk [tilespmem:v18+s25+$0x0], $0xffff  }
0x16d: {  	v28 =	vld.idx.msk [tilespmem:v18+s26+$0x0], $0xffff;
	[tilespmem:s25+$0xC890] =	vst v27  }
0x16e: {  	[tilespmem:s25+$0xC910] =	vst v29;
	v27 =	vld.idx.msk [tilespmem:v18+s28+$0x0], $0xffff  }
0x16f: {  	v29 =	vld.idx.msk [tilespmem:v18+s29+$0x0], $0xffff;
	_ =	sdelay $0x1  }
0x170: {  	[tilespmem:s25+$0xC820] =	vst v30  }
0x171: {  	[tilespmem:s25+$0xC9A0] =	vst v28;
	v30 =	vld.idx.msk [tilespmem:v19+s25+$0x0], $0xffff  }
0x172: {  	v28 =	vld.idx.msk [tilespmem:v19+s26+$0x0], $0xffff;
	[tilespmem:s25+$0xC8A0] =	vst v27  }
0x173: {  	[tilespmem:s25+$0xC920] =	vst v29;
	v27 =	vld.idx.msk [tilespmem:v19+s28+$0x0], $0xffff  }
0x174: {  	v29 =	vld.idx.msk [tilespmem:v19+s29+$0x0], $0xffff;
	_ =	sdelay $0x1  }
0x175: {  	[tilespmem:s25+$0xC830] =	vst v30  }
0x176: {  	[tilespmem:s25+$0xC9B0] =	vst v28;
	v30 =	vld.idx.msk [tilespmem:v20+s25+$0x0], $0xffff  }
0x177: {  	v28 =	vld.idx.msk [tilespmem:v20+s26+$0x0], $0xffff;
	[tilespmem:s25+$0xC8B0] =	vst v27  }
0x178: {  	[tilespmem:s25+$0xC930] =	vst v29;
	v27 =	vld.idx.msk [tilespmem:v20+s28+$0x0], $0xffff  }
0x179: {  	v29 =	vld.idx.msk [tilespmem:v20+s29+$0x0], $0xffff;
	_ =	sdelay $0x1  }
0x17a: {  	[tilespmem:s25+$0xC840] =	vst v30  }
0x17b: {  	[tilespmem:s25+$0xC9C0] =	vst v28;
	v30 =	vld.idx.msk [tilespmem:v21+s25+$0x0], $0xffff  }
0x17c: {  	v28 =	vld.idx.msk [tilespmem:v21+s26+$0x0], $0xffff;
	[tilespmem:s25+$0xC8C0] =	vst v27  }
0x17d: {  	v27 =	vld.idx.msk [tilespmem:v21+s28+$0x0], $0xffff;
	[tilespmem:s25+$0xC940] =	vst v29  }
0x17e: {  	v29 =	vld.idx.msk [tilespmem:v21+s29+$0x0], $0xffff  }
0x17f: {  	[tilespmem:s24+$0xC860] =	vst v26  }
0x180: {  	[tilespmem:s25+$0xC850] =	vst v30  }
0x181: {  	[tilespmem:s25+$0xC9D0] =	vst v28;
	v26 =	vld.idx.msk [tilespmem:v22+s25+$0x0], $0xffff  }
0x182: {  	v28 =	vld.idx.msk [tilespmem:v22+s26+$0x0], $0xffff;
	[tilespmem:s25+$0xC8D0] =	vst v27  }
0x183: {  	v27 =	vld.idx.msk [tilespmem:v22+s28+$0x0], $0xffff;
	[tilespmem:s25+$0xC950] =	vst v29  }
0x184: {  	[tilespmem:s24+$0xC8F0] =	vst v25;
	v29 =	vld.idx.msk [tilespmem:v22+s29+$0x0], $0xffff  }
0x185: {  	[tilespmem:s24+$0xC970] =	vst v24  }
0x186: {  	v25 =	vld.idx.msk [tilespmem:v23+s24+$0x0], $0xffff;
	[tilespmem:s25+$0xC860] =	vst v26  }
0x187: {  	[tilespmem:s25+$0xC9E0] =	vst v28;
	v24 =	vld.idx.msk [tilespmem:v23+s25+$0x0], $0xffff  }
0x188: {  	v28 =	vld.idx.msk [tilespmem:v23+s26+$0x0], $0xffff;
	[tilespmem:s25+$0xC8E0] =	vst v27  }
0x189: {  	v27 =	vld.idx.msk [tilespmem:v23+s28+$0x0], $0xffff;
	[tilespmem:s25+$0xC960] =	vst v29  }
0x18a: {  	v29 =	vld.idx.msk [tilespmem:v23+s29+$0x0], $0xffff  }
0x18b: {  	[tilespmem:s24+$0xC870] =	vst v25;
	s24 =	smul.u32 $0xC000, s23  }
0x18c: {  	[tilespmem:s25+$0xC870] =	vst v24  }
0x18d: {  	s0 =	sadd.s32 s5, s24;
	[tilespmem:s25+$0xC9F0] =	vst v28  }
0x18e: {  	s0 =	sshrl.u32 s0, $0x3;
	[tilespmem:s25+$0xC8F0] =	vst v27  }
0x18f: {  	p0 =	seq.s32 s23, $0x7;
	s0 =	sadd.s32 s4, s0;
	[tilespmem:s25+$0xC970] =	vst v29  }
0x190: {  	[hbm4b:s0+s6] =	stream.linear.scatter [tilespmem:s17], [sflag:$0x3], $0x6000, $0x38;
	[tilespmem:$0x18180] =	vst v63  }
0x191: {  	s0 =	sadd.s32 @!p0 s24, s9  }
0x192: {  	p1 =	seq.s32 @!p0 s23, $0x0;
	s0 =	sshrl.u32 @!p0 s0, $0x3  }
0x193: {  	s2 =	simm.s32 @!p0 $0x0;
	p1 =	por p0, !p1;
	s0 =	sadd.s32 @!p0 s1, s0  }
0x194: {  	[tilespmem:s2], [sflag:$0x1] =	stream.linear.gather @!p0 [hbm4b:s0+s2], $0x6000, $0x38;
	[tilespmem:$0x18180] =	vst v63  }
0x195: {  	_ =	swait.ge @p1 [sflag:s21], $0x6000  }
0x196: {  	[sflag:s21] =	ssyncset.done @p1 $0x0  }
0x197: {  	s25 =	simm.s32 $0x0;
	[sflag:s21] =	ssyncadd.s32 @p1 $0xFFFFA000  }
0x198: {  	s26 =	simm.s32 $0x0;
	s0 =	smul.u32 $0xC00, s25;
	_ =	swait.ge [sflag:s18], $0x6000  }
0x199: {  	s2 =	sand.u32 $0x200, s26;
	[sflag:s18] =	ssyncset.done $0x0  }
0x19a: {  	s25 =	sor.u32 s2, s0;
	[sflag:s18] =	ssyncadd.s32 $0xFFFFA000  }
0x19b: {  	v24 =	vld.idx.msk [tilespmem:v0+s25+$0x6180], $0xffff  }
0x19c: {  	v25 =	vld.idx.msk [tilespmem:v0+s25+$0x6000], $0xffff;
	_ =	sdelay $0x2  }
0x19d: {  	v26 =	vld.idx.msk [tilespmem:v0+s25+$0x6080], $0xffff  }
0x19e: {  	v27 =	vld.idx.msk [tilespmem:v0+s25+$0x6100], $0xffff;
	[tilespmem:s25+$0x12180] =	vst v24  }
0x19f: {  	[tilespmem:s25+$0x12000] =	vst v25;
	v24 =	vld.idx.msk [tilespmem:v1+s25+$0x6180], $0xffff  }
0x1a0: {  	v25 =	vld.idx.msk [tilespmem:v1+s25+$0x6000], $0xffff;
	_ =	sdelay $0x1  }
0x1a1: {  	[tilespmem:s25+$0x12080] =	vst v26  }
0x1a2: {  	[tilespmem:s25+$0x12100] =	vst v27;
	v26 =	vld.idx.msk [tilespmem:v1+s25+$0x6080], $0xffff  }
0x1a3: {  	v27 =	vld.idx.msk [tilespmem:v1+s25+$0x6100], $0xffff;
	[tilespmem:s25+$0x12190] =	vst v24  }
0x1a4: {  	[tilespmem:s25+$0x12010] =	vst v25;
	v24 =	vld.idx.msk [tilespmem:v2+s25+$0x6180], $0xffff  }
0x1a5: {  	v25 =	vld.idx.msk [tilespmem:v2+s25+$0x6000], $0xffff;
	_ =	sdelay $0x1  }
0x1a6: {  	[tilespmem:s25+$0x12090] =	vst v26  }
0x1a7: {  	[tilespmem:s25+$0x12110] =	vst v27;
	v26 =	vld.idx.msk [tilespmem:v2+s25+$0x6080], $0xffff  }
0x1a8: {  	v27 =	vld.idx.msk [tilespmem:v2+s25+$0x6100], $0xffff;
	[tilespmem:s25+$0x121A0] =	vst v24  }
0x1a9: {  	[tilespmem:s25+$0x12020] =	vst v25;
	v24 =	vld.idx.msk [tilespmem:v3+s25+$0x6180], $0xffff  }
0x1aa: {  	v25 =	vld.idx.msk [tilespmem:v3+s25+$0x6000], $0xffff;
	_ =	sdelay $0x1  }
0x1ab: {  	[tilespmem:s25+$0x120A0] =	vst v26  }
0x1ac: {  	[tilespmem:s25+$0x12120] =	vst v27;
	v26 =	vld.idx.msk [tilespmem:v3+s25+$0x6080], $0xffff  }
0x1ad: {  	v27 =	vld.idx.msk [tilespmem:v3+s25+$0x6100], $0xffff;
	[tilespmem:s25+$0x121B0] =	vst v24  }
0x1ae: {  	[tilespmem:s25+$0x12030] =	vst v25;
	v24 =	vld.idx.msk [tilespmem:v4+s25+$0x6180], $0xffff  }
0x1af: {  	v25 =	vld.idx.msk [tilespmem:v4+s25+$0x6000], $0xffff;
	_ =	sdelay $0x1  }
0x1b0: {  	[tilespmem:s25+$0x120B0] =	vst v26  }
0x1b1: {  	[tilespmem:s25+$0x12130] =	vst v27;
	v26 =	vld.idx.msk [tilespmem:v4+s25+$0x6080], $0xffff  }
0x1b2: {  	v27 =	vld.idx.msk [tilespmem:v4+s25+$0x6100], $0xffff;
	[tilespmem:s25+$0x121C0] =	vst v24  }
0x1b3: {  	[tilespmem:s25+$0x12040] =	vst v25;
	v24 =	vld.idx.msk [tilespmem:v5+s25+$0x6180], $0xffff  }
0x1b4: {  	v25 =	vld.idx.msk [tilespmem:v5+s25+$0x6000], $0xffff;
	_ =	sdelay $0x1  }
0x1b5: {  	[tilespmem:s25+$0x120C0] =	vst v26  }
0x1b6: {  	[tilespmem:s25+$0x12140] =	vst v27;
	v26 =	vld.idx.msk [tilespmem:v5+s25+$0x6080], $0xffff  }
0x1b7: {  	s30 =	simm.s32 $0x0;
	v27 =	vld.idx.msk [tilespmem:v5+s25+$0x6100], $0xffff;
	[tilespmem:s25+$0x121D0] =	vst v24  }
0x1b8: {  	s28 =	simm.s32 $0x200;
	s0 =	smul.u32 $0xC00, s30;
	[tilespmem:s25+$0x12050] =	vst v25;
	v24 =	vld.idx.msk [tilespmem:v6+s25+$0x6180], $0xffff  }
0x1b9: {  	s31 =	sand.u32 $0x200, s28;
	v25 =	vld.idx.msk [tilespmem:v6+s25+$0x6000], $0xffff  }
0x1ba: {  	s26 =	sor.u32 s31, s0  }
0x1bb: {  	v28 =	vld.idx.msk [tilespmem:v0+s26+$0x6180], $0xffff;
	[tilespmem:s25+$0x120D0] =	vst v26  }
0x1bc: {  	[tilespmem:s25+$0x12150] =	vst v27;
	v26 =	vld.idx.msk [tilespmem:v6+s25+$0x6080], $0xffff  }
0x1bd: {  	v27 =	vld.idx.msk [tilespmem:v6+s25+$0x6100], $0xffff;
	[tilespmem:s25+$0x121E0] =	vst v24  }
0x1be: {  	[tilespmem:s25+$0x12060] =	vst v25;
	v24 =	vld.idx.msk [tilespmem:v7+s25+$0x6180], $0xffff  }
0x1bf: {  	v25 =	vld.idx.msk [tilespmem:v7+s25+$0x6000], $0xffff  }
0x1c0: {  	v29 =	vld.idx.msk [tilespmem:v0+s26+$0x6000], $0xffff  }
0x1c1: {  	v30 =	vld.idx.msk [tilespmem:v0+s26+$0x6100], $0xffff;
	[tilespmem:s25+$0x120E0] =	vst v26  }
0x1c2: {  	[tilespmem:s25+$0x12160] =	vst v27;
	v26 =	vld.idx.msk [tilespmem:v7+s25+$0x6080], $0xffff  }
0x1c3: {  	v27 =	vld.idx.msk [tilespmem:v7+s25+$0x6100], $0xffff;
	[tilespmem:s25+$0x121F0] =	vst v24  }
0x1c4: {  	[tilespmem:s25+$0x12070] =	vst v25;
	v24 =	vld.idx.msk [tilespmem:v8+s25+$0x6180], $0xffff  }
0x1c5: {  	[tilespmem:s26+$0x12180] =	vst v28;
	v25 =	vld.idx.msk [tilespmem:v8+s25+$0x6000], $0xffff  }
0x1c6: {  	[tilespmem:s26+$0x12000] =	vst v29;
	v28 =	vld.idx.msk [tilespmem:v1+s26+$0x6180], $0xffff  }
0x1c7: {  	v29 =	vld.idx.msk [tilespmem:v1+s26+$0x6000], $0xffff;
	[tilespmem:s25+$0x120F0] =	vst v26  }
0x1c8: {  	[tilespmem:s25+$0x12170] =	vst v27;
	v26 =	vld.idx.msk [tilespmem:v8+s25+$0x6080], $0xffff  }
0x1c9: {  	v27 =	vld.idx.msk [tilespmem:v8+s25+$0x6100], $0xffff;
	[tilespmem:s25+$0x12580] =	vst v24  }
0x1ca: {  	[tilespmem:s25+$0x12400] =	vst v25;
	v24 =	vld.idx.msk [tilespmem:v9+s25+$0x6180], $0xffff  }
0x1cb: {  	[tilespmem:s26+$0x12100] =	vst v30;
	v25 =	vld.idx.msk [tilespmem:v9+s25+$0x6000], $0xffff  }
0x1cc: {  	v30 =	vld.idx.msk [tilespmem:v1+s26+$0x6100], $0xffff;
	[tilespmem:s26+$0x12190] =	vst v28  }
0x1cd: {  	v28 =	vld.idx.msk [tilespmem:v2+s26+$0x6180], $0xffff;
	[tilespmem:s25+$0x12480] =	vst v26  }
0x1ce: {  	[tilespmem:s25+$0x12500] =	vst v27;
	v26 =	vld.idx.msk [tilespmem:v9+s25+$0x6080], $0xffff  }
0x1cf: {  	v27 =	vld.idx.msk [tilespmem:v9+s25+$0x6100], $0xffff;
	[tilespmem:s25+$0x12590] =	vst v24  }
0x1d0: {  	[tilespmem:s25+$0x12410] =	vst v25;
	v24 =	vld.idx.msk [tilespmem:v10+s25+$0x6180], $0xffff  }
0x1d1: {  	[tilespmem:s26+$0x12010] =	vst v29;
	v25 =	vld.idx.msk [tilespmem:v10+s25+$0x6000], $0xffff  }
0x1d2: {  	[tilespmem:s26+$0x12110] =	vst v30;
	v29 =	vld.idx.msk [tilespmem:v2+s26+$0x6000], $0xffff  }
0x1d3: {  	v30 =	vld.idx.msk [tilespmem:v2+s26+$0x6100], $0xffff;
	[tilespmem:s25+$0x12490] =	vst v26  }
0x1d4: {  	[tilespmem:s25+$0x12510] =	vst v27;
	v26 =	vld.idx.msk [tilespmem:v10+s25+$0x6080], $0xffff  }
0x1d5: {  	v27 =	vld.idx.msk [tilespmem:v10+s25+$0x6100], $0xffff;
	[tilespmem:s25+$0x125A0] =	vst v24  }
0x1d6: {  	[tilespmem:s25+$0x12420] =	vst v25;
	v24 =	vld.idx.msk [tilespmem:v11+s25+$0x6180], $0xffff  }
0x1d7: {  	[tilespmem:s26+$0x121A0] =	vst v28;
	v25 =	vld.idx.msk [tilespmem:v11+s25+$0x6000], $0xffff  }
0x1d8: {  	[tilespmem:s26+$0x12020] =	vst v29;
	v28 =	vld.idx.msk [tilespmem:v3+s26+$0x6180], $0xffff  }
0x1d9: {  	v29 =	vld.idx.msk [tilespmem:v3+s26+$0x6000], $0xffff;
	[tilespmem:s25+$0x124A0] =	vst v26  }
0x1da: {  	[tilespmem:s25+$0x12520] =	vst v27;
	v26 =	vld.idx.msk [tilespmem:v11+s25+$0x6080], $0xffff  }
0x1db: {  	v27 =	vld.idx.msk [tilespmem:v11+s25+$0x6100], $0xffff;
	[tilespmem:s25+$0x125B0] =	vst v24  }
0x1dc: {  	[tilespmem:s25+$0x12430] =	vst v25;
	v24 =	vld.idx.msk [tilespmem:v12+s25+$0x6180], $0xffff  }
0x1dd: {  	[tilespmem:s26+$0x12120] =	vst v30;
	v25 =	vld.idx.msk [tilespmem:v12+s25+$0x6000], $0xffff  }
0x1de: {  	v30 =	vld.idx.msk [tilespmem:v3+s26+$0x6100], $0xffff;
	[tilespmem:s26+$0x121B0] =	vst v28  }
0x1df: {  	v28 =	vld.idx.msk [tilespmem:v4+s26+$0x6180], $0xffff;
	[tilespmem:s25+$0x124B0] =	vst v26  }
0x1e0: {  	[tilespmem:s25+$0x12530] =	vst v27;
	v26 =	vld.idx.msk [tilespmem:v12+s25+$0x6080], $0xffff  }
0x1e1: {  	v27 =	vld.idx.msk [tilespmem:v12+s25+$0x6100], $0xffff;
	[tilespmem:s25+$0x125C0] =	vst v24  }
0x1e2: {  	[tilespmem:s25+$0x12440] =	vst v25;
	v24 =	vld.idx.msk [tilespmem:v13+s25+$0x6180], $0xffff  }
0x1e3: {  	[tilespmem:s26+$0x12030] =	vst v29;
	v25 =	vld.idx.msk [tilespmem:v13+s25+$0x6000], $0xffff  }
0x1e4: {  	[tilespmem:s26+$0x12130] =	vst v30;
	v29 =	vld.idx.msk [tilespmem:v4+s26+$0x6000], $0xffff  }
0x1e5: {  	v30 =	vld.idx.msk [tilespmem:v4+s26+$0x6100], $0xffff;
	[tilespmem:s25+$0x124C0] =	vst v26  }
0x1e6: {  	[tilespmem:s25+$0x12540] =	vst v27;
	v26 =	vld.idx.msk [tilespmem:v13+s25+$0x6080], $0xffff  }
0x1e7: {  	v27 =	vld.idx.msk [tilespmem:v13+s25+$0x6100], $0xffff;
	[tilespmem:s25+$0x125D0] =	vst v24  }
0x1e8: {  	[tilespmem:s25+$0x12450] =	vst v25;
	v25 =	vld.idx.msk [tilespmem:v0+s26+$0x6080], $0xffff  }
0x1e9: {  	[tilespmem:s26+$0x121C0] =	vst v28;
	v24 =	vld.idx.msk [tilespmem:v14+s25+$0x6180], $0xffff  }
0x1ea: {  	[tilespmem:s26+$0x12040] =	vst v29;
	v28 =	vld.idx.msk [tilespmem:v5+s26+$0x6180], $0xffff  }
0x1eb: {  	v29 =	vld.idx.msk [tilespmem:v5+s26+$0x6000], $0xffff;
	[tilespmem:s25+$0x124D0] =	vst v26  }
0x1ec: {  	[tilespmem:s25+$0x12550] =	vst v27;
	v26 =	vld.idx.msk [tilespmem:v14+s25+$0x6000], $0xffff  }
0x1ed: {  	v27 =	vld.idx.msk [tilespmem:v14+s25+$0x6080], $0xffff;
	[tilespmem:s26+$0x12080] =	vst v25  }
0x1ee: {  	[tilespmem:s25+$0x125E0] =	vst v24;
	v25 =	vld.idx.msk [tilespmem:v1+s26+$0x6080], $0xffff  }
0x1ef: {  	[tilespmem:s26+$0x12140] =	vst v30;
	v24 =	vld.idx.msk [tilespmem:v15+s25+$0x6180], $0xffff  }
0x1f0: {  	v30 =	vld.idx.msk [tilespmem:v5+s26+$0x6100], $0xffff;
	[tilespmem:s26+$0x121D0] =	vst v28  }
0x1f1: {  	v28 =	vld.idx.msk [tilespmem:v6+s26+$0x6180], $0xffff;
	[tilespmem:s25+$0x12460] =	vst v26  }
0x1f2: {  	[tilespmem:s25+$0x124E0] =	vst v27;
	v26 =	vld.idx.msk [tilespmem:v14+s25+$0x6100], $0xffff  }
0x1f3: {  	v27 =	vld.idx.msk [tilespmem:v15+s25+$0x6000], $0xffff;
	[tilespmem:s26+$0x12090] =	vst v25  }
0x1f4: {  	[tilespmem:s25+$0x125F0] =	vst v24;
	v25 =	vld.idx.msk [tilespmem:v2+s26+$0x6080], $0xffff  }
0x1f5: {  	[tilespmem:s26+$0x12050] =	vst v29;
	v24 =	vld.idx.msk [tilespmem:v16+s25+$0x6180], $0xffff  }
0x1f6: {  	[tilespmem:s26+$0x12150] =	vst v30;
	v29 =	vld.idx.msk [tilespmem:v6+s26+$0x6000], $0xffff  }
0x1f7: {  	v30 =	vld.idx.msk [tilespmem:v6+s26+$0x6100], $0xffff;
	[tilespmem:s25+$0x12560] =	vst v26  }
0x1f8: {  	v26 =	vld.idx.msk [tilespmem:v15+s25+$0x6080], $0xffff;
	[tilespmem:s25+$0x12470] =	vst v27  }
0x1f9: {  	v27 =	vld.idx.msk [tilespmem:v15+s25+$0x6100], $0xffff;
	[tilespmem:s26+$0x120A0] =	vst v25  }
0x1fa: {  	[tilespmem:s25+$0x12980] =	vst v24;
	v25 =	vld.idx.msk [tilespmem:v3+s26+$0x6080], $0xffff  }
0x1fb: {  	[tilespmem:s26+$0x121E0] =	vst v28;
	v24 =	vld.idx.msk [tilespmem:v17+s25+$0x6180], $0xffff  }
0x1fc: {  	[tilespmem:s26+$0x12060] =	vst v29;
	v28 =	vld.idx.msk [tilespmem:v7+s26+$0x6180], $0xffff  }
0x1fd: {  	v29 =	vld.idx.msk [tilespmem:v7+s26+$0x6000], $0xffff;
	[tilespmem:s25+$0x124F0] =	vst v26  }
0x1fe: {  	v26 =	vld.idx.msk [tilespmem:v16+s25+$0x6000], $0xffff;
	[tilespmem:s25+$0x12570] =	vst v27  }
0x1ff: {  	v27 =	vld.idx.msk [tilespmem:v16+s25+$0x6080], $0xffff;
	[tilespmem:s26+$0x120B0] =	vst v25  }
0x200: {  	[tilespmem:s25+$0x12990] =	vst v24;
	v25 =	vld.idx.msk [tilespmem:v4+s26+$0x6080], $0xffff  }
0x201: {  	[tilespmem:s26+$0x12160] =	vst v30;
	v24 =	vld.idx.msk [tilespmem:v18+s25+$0x6180], $0xffff  }
0x202: {  	v30 =	vld.idx.msk [tilespmem:v7+s26+$0x6100], $0xffff;
	[tilespmem:s26+$0x121F0] =	vst v28  }
0x203: {  	v28 =	vld.idx.msk [tilespmem:v8+s26+$0x6180], $0xffff;
	[tilespmem:s25+$0x12800] =	vst v26  }
0x204: {  	v26 =	vld.idx.msk [tilespmem:v16+s25+$0x6100], $0xffff;
	[tilespmem:s25+$0x12880] =	vst v27  }
0x205: {  	v27 =	vld.idx.msk [tilespmem:v17+s25+$0x6000], $0xffff;
	[tilespmem:s26+$0x120C0] =	vst v25  }
0x206: {  	[tilespmem:s25+$0x129A0] =	vst v24;
	v25 =	vld.idx.msk [tilespmem:v5+s26+$0x6080], $0xffff  }
0x207: {  	[tilespmem:s26+$0x12070] =	vst v29;
	v24 =	vld.idx.msk [tilespmem:v19+s25+$0x6180], $0xffff  }
0x208: {  	[tilespmem:s26+$0x12170] =	vst v30;
	v29 =	vld.idx.msk [tilespmem:v8+s26+$0x6000], $0xffff  }
0x209: {  	v30 =	vld.idx.msk [tilespmem:v8+s26+$0x6100], $0xffff;
	[tilespmem:s25+$0x12900] =	vst v26  }
0x20a: {  	v26 =	vld.idx.msk [tilespmem:v17+s25+$0x6080], $0xffff;
	[tilespmem:s25+$0x12810] =	vst v27  }
0x20b: {  	v27 =	vld.idx.msk [tilespmem:v17+s25+$0x6100], $0xffff;
	[tilespmem:s26+$0x120D0] =	vst v25  }
0x20c: {  	[tilespmem:s25+$0x129B0] =	vst v24;
	v25 =	vld.idx.msk [tilespmem:v6+s26+$0x6080], $0xffff  }
0x20d: {  	[tilespmem:s26+$0x12580] =	vst v28;
	v24 =	vld.idx.msk [tilespmem:v20+s25+$0x6180], $0xffff  }
0x20e: {  	[tilespmem:s26+$0x12400] =	vst v29;
	v28 =	vld.idx.msk [tilespmem:v9+s26+$0x6180], $0xffff  }
0x20f: {  	v29 =	vld.idx.msk [tilespmem:v9+s26+$0x6000], $0xffff;
	[tilespmem:s25+$0x12890] =	vst v26  }
0x210: {  	v26 =	vld.idx.msk [tilespmem:v18+s25+$0x6000], $0xffff;
	[tilespmem:s25+$0x12910] =	vst v27  }
0x211: {  	v27 =	vld.idx.msk [tilespmem:v18+s25+$0x6080], $0xffff;
	[tilespmem:s26+$0x120E0] =	vst v25  }
0x212: {  	[tilespmem:s25+$0x129C0] =	vst v24;
	v25 =	vld.idx.msk [tilespmem:v7+s26+$0x6080], $0xffff  }
0x213: {  	[tilespmem:s26+$0x12500] =	vst v30;
	v24 =	vld.idx.msk [tilespmem:v21+s25+$0x6180], $0xffff  }
0x214: {  	v30 =	vld.idx.msk [tilespmem:v9+s26+$0x6100], $0xffff;
	[tilespmem:s26+$0x12590] =	vst v28  }
0x215: {  	v28 =	vld.idx.msk [tilespmem:v10+s26+$0x6180], $0xffff;
	[tilespmem:s25+$0x12820] =	vst v26  }
0x216: {  	v26 =	vld.idx.msk [tilespmem:v18+s25+$0x6100], $0xffff;
	[tilespmem:s25+$0x128A0] =	vst v27  }
0x217: {  	v27 =	vld.idx.msk [tilespmem:v19+s25+$0x6000], $0xffff;
	[tilespmem:s26+$0x120F0] =	vst v25  }
0x218: {  	[tilespmem:s25+$0x129D0] =	vst v24;
	v25 =	vld.idx.msk [tilespmem:v8+s26+$0x6080], $0xffff  }
0x219: {  	[tilespmem:s26+$0x12410] =	vst v29;
	v24 =	vld.idx.msk [tilespmem:v22+s25+$0x6180], $0xffff  }
0x21a: {  	[tilespmem:s26+$0x12510] =	vst v30;
	v29 =	vld.idx.msk [tilespmem:v10+s26+$0x6000], $0xffff  }
0x21b: {  	[tilespmem:s25+$0x12920] =	vst v26;
	v26 =	vld.idx.msk [tilespmem:v19+s25+$0x6080], $0xffff  }
0x21c: {  	[tilespmem:s25+$0x12830] =	vst v27;
	v27 =	vld.idx.msk [tilespmem:v19+s25+$0x6100], $0xffff  }
0x21d: {  	v30 =	vld.idx.msk [tilespmem:v10+s26+$0x6100], $0xffff;
	[tilespmem:s26+$0x12480] =	vst v25  }
0x21e: {  	[tilespmem:s25+$0x129E0] =	vst v24;
	v25 =	vld.idx.msk [tilespmem:v9+s26+$0x6080], $0xffff  }
0x21f: {  	[tilespmem:s26+$0x125A0] =	vst v28;
	v24 =	vld.idx.msk [tilespmem:v23+s25+$0x6180], $0xffff  }
0x220: {  	[tilespmem:s25+$0x128B0] =	vst v26;
	v26 =	vld.idx.msk [tilespmem:v20+s25+$0x6000], $0xffff  }
0x221: {  	[tilespmem:s25+$0x12930] =	vst v27;
	v27 =	vld.idx.msk [tilespmem:v20+s25+$0x6080], $0xffff  }
0x222: {  	[tilespmem:s26+$0x12420] =	vst v29;
	v28 =	vld.idx.msk [tilespmem:v11+s26+$0x6180], $0xffff  }
0x223: {  	v29 =	vld.idx.msk [tilespmem:v11+s26+$0x6000], $0xffff;
	[tilespmem:s26+$0x12490] =	vst v25  }
0x224: {  	[tilespmem:s25+$0x129F0] =	vst v24;
	v24 =	vld.idx.msk [tilespmem:v20+s25+$0x6100], $0xffff  }
0x225: {  	[tilespmem:s25+$0x12840] =	vst v26;
	v25 =	vld.idx.msk [tilespmem:v10+s26+$0x6080], $0xffff  }
0x226: {  	v26 =	vld.idx.msk [tilespmem:v21+s25+$0x6000], $0xffff;
	[tilespmem:s25+$0x128C0] =	vst v27  }
0x227: {  	[tilespmem:s26+$0x12520] =	vst v30;
	v27 =	vld.idx.msk [tilespmem:v21+s25+$0x6080], $0xffff  }
0x228: {  	v30 =	vld.idx.msk [tilespmem:v11+s26+$0x6100], $0xffff;
	[tilespmem:s26+$0x125B0] =	vst v28  }
0x229: {  	v33 =	vld.idx.msk [tilespmem:v12+s26+$0x6180], $0xffff;
	[tilespmem:s25+$0x12940] =	vst v24  }
0x22a: {  	[tilespmem:s26+$0x124A0] =	vst v25;
	v24 =	vld.idx.msk [tilespmem:v21+s25+$0x6100], $0xffff  }
0x22b: {  	[tilespmem:s25+$0x12850] =	vst v26;
	v25 =	vld.idx.msk [tilespmem:v11+s26+$0x6080], $0xffff  }
0x22c: {  	v31 =	vld.idx.msk [tilespmem:v22+s25+$0x6000], $0xffff;
	[tilespmem:s25+$0x128D0] =	vst v27  }
0x22d: {  	[tilespmem:s26+$0x12430] =	vst v29;
	v32 =	vld.idx.msk [tilespmem:v22+s25+$0x6080], $0xffff  }
0x22e: {  	[tilespmem:s26+$0x12530] =	vst v30;
	v29 =	vld.idx.msk [tilespmem:v12+s26+$0x6000], $0xffff  }
0x22f: {  	v27 =	vld.idx.msk [tilespmem:v12+s26+$0x6100], $0xffff;
	[tilespmem:s25+$0x12950] =	vst v24  }
0x230: {  	[tilespmem:s26+$0x124B0] =	vst v25;
	v26 =	vld.idx.msk [tilespmem:v22+s25+$0x6100], $0xffff  }
0x231: {  	[tilespmem:s25+$0x12860] =	vst v31;
	v28 =	vld.idx.msk [tilespmem:v12+s26+$0x6080], $0xffff  }
0x232: {  	[tilespmem:s25+$0x128E0] =	vst v32;
	v25 =	vld.idx.msk [tilespmem:v23+s25+$0x6000], $0xffff  }
0x233: {  	s29 =	simm.s32 $0x4;
	[tilespmem:s26+$0x125C0] =	vst v33;
	v24 =	vld.idx.msk [tilespmem:v23+s25+$0x6080], $0xffff  }
.LBB2_5:
0x234: {  	s29 =	sadd.s32 $0x4, s29;
	[tilespmem:s26+$0x12440] =	vst v29;
	v29 =	vld.idx.msk [tilespmem:v13+s26+$0x6180], $0xffff  }
0x235: {  	s0 =	sshrl.u32 s29, $0x3;
	p1 =	slt.u32 s29, $0x3C;
	v30 =	vld.idx.msk [tilespmem:v13+s26+$0x6000], $0xffff;
	[tilespmem:s25+$0x12960] =	vst v26  }
0x236: {  	s28 =	sadd.s32 $0x200, s28;
	s0 =	smul.u32 $0xC00, s0;
	[tilespmem:s26+$0x124C0] =	vst v28;
	v26 =	vld.idx.msk [tilespmem:v23+s25+$0x6100], $0xffff  }
0x237: {  	s2 =	sand.u32 $0x200, s28;
	v28 =	vld.idx.msk [tilespmem:v13+s26+$0x6080], $0xffff;
	[tilespmem:s26+$0x12540] =	vst v27  }
0x238: {  	s0 =	sor.u32 s2, s0;
	v27 =	vld.idx.msk [tilespmem:v13+s26+$0x6100], $0xffff;
	[tilespmem:s25+$0x12870] =	vst v25  }
0x239: {  	v25 =	vld.idx.msk [tilespmem:v0+s0+$0x6180], $0xffff;
	[tilespmem:s25+$0x128F0] =	vst v24  }
0x23a: {  	v24 =	vld.idx.msk [tilespmem:v0+s0+$0x6000], $0xffff;
	[tilespmem:s26+$0x125D0] =	vst v29  }
0x23b: {  	[tilespmem:s26+$0x12450] =	vst v30;
	v29 =	vld.idx.msk [tilespmem:v14+s26+$0x6180], $0xffff  }
0x23c: {  	v30 =	vld.idx.msk [tilespmem:v0+s0+$0x6080], $0xffff;
	[tilespmem:s25+$0x12970] =	vst v26;
	s25 =	smov.u32 s26;
	s26 =	smov.u32 s0  }
0x23d: {  	v26 =	vld.idx.msk [tilespmem:v0+s26+$0x6100], $0xffff;
	[tilespmem:s25+$0x124D0] =	vst v28  }
0x23e: {  	v28 =	vld.idx.msk [tilespmem:v14+s25+$0x6000], $0xffff;
	[tilespmem:s25+$0x12550] =	vst v27  }
0x23f: {  	[tilespmem:s26+$0x12180] =	vst v25;
	v25 =	vld.idx.msk [tilespmem:v14+s25+$0x6080], $0xffff  }
0x240: {  	[tilespmem:s26+$0x12000] =	vst v24;
	v24 =	vld.idx.msk [tilespmem:v1+s26+$0x6180], $0xffff  }
0x241: {  	v27 =	vld.idx.msk [tilespmem:v1+s26+$0x6000], $0xffff;
	[tilespmem:s25+$0x125E0] =	vst v29  }
0x242: {  	[tilespmem:s26+$0x12080] =	vst v30;
	v29 =	vld.idx.msk [tilespmem:v15+s25+$0x6180], $0xffff  }
0x243: {  	v30 =	vld.idx.msk [tilespmem:v1+s26+$0x6080], $0xffff;
	[tilespmem:s26+$0x12100] =	vst v26  }
0x244: {  	v26 =	vld.idx.msk [tilespmem:v1+s26+$0x6100], $0xffff;
	[tilespmem:s25+$0x12460] =	vst v28  }
0x245: {  	[tilespmem:s25+$0x124E0] =	vst v25;
	v25 =	vld.idx.msk [tilespmem:v14+s25+$0x6100], $0xffff  }
0x246: {  	[tilespmem:s26+$0x12190] =	vst v24;
	v24 =	vld.idx.msk [tilespmem:v15+s25+$0x6000], $0xffff  }
0x247: {  	[tilespmem:s26+$0x12010] =	vst v27;
	v27 =	vld.idx.msk [tilespmem:v2+s26+$0x6180], $0xffff  }
0x248: {  	v28 =	vld.idx.msk [tilespmem:v2+s26+$0x6000], $0xffff;
	[tilespmem:s25+$0x125F0] =	vst v29  }
0x249: {  	[tilespmem:s26+$0x12090] =	vst v30;
	v29 =	vld.idx.msk [tilespmem:v16+s25+$0x6180], $0xffff  }
0x24a: {  	v30 =	vld.idx.msk [tilespmem:v2+s26+$0x6080], $0xffff;
	[tilespmem:s26+$0x12110] =	vst v26  }
0x24b: {  	v26 =	vld.idx.msk [tilespmem:v2+s26+$0x6100], $0xffff;
	[tilespmem:s25+$0x12560] =	vst v25  }
0x24c: {  	[tilespmem:s25+$0x12470] =	vst v24;
	v24 =	vld.idx.msk [tilespmem:v15+s25+$0x6080], $0xffff  }
0x24d: {  	[tilespmem:s26+$0x121A0] =	vst v27;
	v25 =	vld.idx.msk [tilespmem:v15+s25+$0x6100], $0xffff  }
0x24e: {  	[tilespmem:s26+$0x12020] =	vst v28;
	v27 =	vld.idx.msk [tilespmem:v3+s26+$0x6180], $0xffff  }
0x24f: {  	v28 =	vld.idx.msk [tilespmem:v3+s26+$0x6000], $0xffff;
	[tilespmem:s25+$0x12980] =	vst v29  }
0x250: {  	[tilespmem:s26+$0x120A0] =	vst v30;
	v29 =	vld.idx.msk [tilespmem:v17+s25+$0x6180], $0xffff  }
0x251: {  	v30 =	vld.idx.msk [tilespmem:v3+s26+$0x6080], $0xffff;
	[tilespmem:s26+$0x12120] =	vst v26  }
0x252: {  	v26 =	vld.idx.msk [tilespmem:v3+s26+$0x6100], $0xffff;
	[tilespmem:s25+$0x124F0] =	vst v24  }
0x253: {  	v24 =	vld.idx.msk [tilespmem:v16+s25+$0x6000], $0xffff;
	[tilespmem:s25+$0x12570] =	vst v25  }
0x254: {  	[tilespmem:s26+$0x121B0] =	vst v27;
	v25 =	vld.idx.msk [tilespmem:v16+s25+$0x6080], $0xffff  }
0x255: {  	[tilespmem:s26+$0x12030] =	vst v28;
	v27 =	vld.idx.msk [tilespmem:v4+s26+$0x6180], $0xffff  }
0x256: {  	v28 =	vld.idx.msk [tilespmem:v4+s26+$0x6000], $0xffff;
	[tilespmem:s25+$0x12990] =	vst v29  }
0x257: {  	[tilespmem:s26+$0x120B0] =	vst v30;
	v29 =	vld.idx.msk [tilespmem:v18+s25+$0x6180], $0xffff  }
0x258: {  	v30 =	vld.idx.msk [tilespmem:v4+s26+$0x6080], $0xffff;
	[tilespmem:s26+$0x12130] =	vst v26  }
0x259: {  	v26 =	vld.idx.msk [tilespmem:v4+s26+$0x6100], $0xffff;
	[tilespmem:s25+$0x12800] =	vst v24  }
0x25a: {  	[tilespmem:s25+$0x12880] =	vst v25;
	v24 =	vld.idx.msk [tilespmem:v16+s25+$0x6100], $0xffff  }
0x25b: {  	[tilespmem:s26+$0x121C0] =	vst v27;
	v25 =	vld.idx.msk [tilespmem:v17+s25+$0x6000], $0xffff  }
0x25c: {  	[tilespmem:s26+$0x12040] =	vst v28;
	v27 =	vld.idx.msk [tilespmem:v5+s26+$0x6180], $0xffff  }
0x25d: {  	v28 =	vld.idx.msk [tilespmem:v5+s26+$0x6000], $0xffff;
	[tilespmem:s25+$0x129A0] =	vst v29  }
0x25e: {  	[tilespmem:s26+$0x120C0] =	vst v30;
	v29 =	vld.idx.msk [tilespmem:v19+s25+$0x6180], $0xffff  }
0x25f: {  	v30 =	vld.idx.msk [tilespmem:v5+s26+$0x6080], $0xffff;
	[tilespmem:s26+$0x12140] =	vst v26  }
0x260: {  	v26 =	vld.idx.msk [tilespmem:v5+s26+$0x6100], $0xffff;
	[tilespmem:s25+$0x12900] =	vst v24  }
0x261: {  	[tilespmem:s25+$0x12810] =	vst v25;
	v24 =	vld.idx.msk [tilespmem:v17+s25+$0x6080], $0xffff  }
0x262: {  	[tilespmem:s26+$0x121D0] =	vst v27;
	v25 =	vld.idx.msk [tilespmem:v17+s25+$0x6100], $0xffff  }
0x263: {  	[tilespmem:s26+$0x12050] =	vst v28;
	v27 =	vld.idx.msk [tilespmem:v6+s26+$0x6180], $0xffff  }
0x264: {  	v28 =	vld.idx.msk [tilespmem:v6+s26+$0x6000], $0xffff;
	[tilespmem:s25+$0x129B0] =	vst v29  }
0x265: {  	[tilespmem:s26+$0x120D0] =	vst v30;
	v29 =	vld.idx.msk [tilespmem:v20+s25+$0x6180], $0xffff  }
0x266: {  	v30 =	vld.idx.msk [tilespmem:v6+s26+$0x6080], $0xffff;
	[tilespmem:s26+$0x12150] =	vst v26  }
0x267: {  	v26 =	vld.idx.msk [tilespmem:v6+s26+$0x6100], $0xffff;
	[tilespmem:s25+$0x12890] =	vst v24  }
0x268: {  	v24 =	vld.idx.msk [tilespmem:v18+s25+$0x6000], $0xffff;
	[tilespmem:s25+$0x12910] =	vst v25  }
0x269: {  	[tilespmem:s26+$0x121E0] =	vst v27;
	v25 =	vld.idx.msk [tilespmem:v18+s25+$0x6080], $0xffff  }
0x26a: {  	[tilespmem:s26+$0x12060] =	vst v28;
	v27 =	vld.idx.msk [tilespmem:v7+s26+$0x6180], $0xffff  }
0x26b: {  	v28 =	vld.idx.msk [tilespmem:v7+s26+$0x6000], $0xffff;
	[tilespmem:s25+$0x129C0] =	vst v29  }
0x26c: {  	[tilespmem:s26+$0x120E0] =	vst v30;
	v29 =	vld.idx.msk [tilespmem:v21+s25+$0x6180], $0xffff  }
0x26d: {  	v30 =	vld.idx.msk [tilespmem:v7+s26+$0x6080], $0xffff;
	[tilespmem:s26+$0x12160] =	vst v26  }
0x26e: {  	v26 =	vld.idx.msk [tilespmem:v7+s26+$0x6100], $0xffff;
	[tilespmem:s25+$0x12820] =	vst v24  }
0x26f: {  	[tilespmem:s25+$0x128A0] =	vst v25;
	v24 =	vld.idx.msk [tilespmem:v18+s25+$0x6100], $0xffff  }
0x270: {  	[tilespmem:s26+$0x121F0] =	vst v27;
	v25 =	vld.idx.msk [tilespmem:v19+s25+$0x6000], $0xffff  }
0x271: {  	[tilespmem:s26+$0x12070] =	vst v28;
	v27 =	vld.idx.msk [tilespmem:v8+s26+$0x6180], $0xffff  }
0x272: {  	v28 =	vld.idx.msk [tilespmem:v8+s26+$0x6000], $0xffff;
	[tilespmem:s25+$0x129D0] =	vst v29  }
0x273: {  	[tilespmem:s26+$0x120F0] =	vst v30;
	v29 =	vld.idx.msk [tilespmem:v22+s25+$0x6180], $0xffff  }
0x274: {  	v30 =	vld.idx.msk [tilespmem:v8+s26+$0x6080], $0xffff;
	[tilespmem:s26+$0x12170] =	vst v26  }
0x275: {  	v26 =	vld.idx.msk [tilespmem:v8+s26+$0x6100], $0xffff;
	[tilespmem:s25+$0x12920] =	vst v24  }
0x276: {  	[tilespmem:s25+$0x12830] =	vst v25;
	v24 =	vld.idx.msk [tilespmem:v19+s25+$0x6080], $0xffff  }
0x277: {  	[tilespmem:s26+$0x12580] =	vst v27;
	v25 =	vld.idx.msk [tilespmem:v19+s25+$0x6100], $0xffff  }
0x278: {  	[tilespmem:s26+$0x12400] =	vst v28;
	v27 =	vld.idx.msk [tilespmem:v9+s26+$0x6180], $0xffff  }
0x279: {  	v28 =	vld.idx.msk [tilespmem:v9+s26+$0x6000], $0xffff;
	[tilespmem:s25+$0x129E0] =	vst v29  }
0x27a: {  	[tilespmem:s26+$0x12480] =	vst v30;
	v29 =	vld.idx.msk [tilespmem:v23+s25+$0x6180], $0xffff  }
0x27b: {  	v30 =	vld.idx.msk [tilespmem:v9+s26+$0x6080], $0xffff;
	[tilespmem:s26+$0x12500] =	vst v26  }
0x27c: {  	v26 =	vld.idx.msk [tilespmem:v9+s26+$0x6100], $0xffff;
	[tilespmem:s25+$0x128B0] =	vst v24  }
0x27d: {  	v24 =	vld.idx.msk [tilespmem:v20+s25+$0x6000], $0xffff;
	[tilespmem:s25+$0x12930] =	vst v25  }
0x27e: {  	[tilespmem:s26+$0x12590] =	vst v27;
	v25 =	vld.idx.msk [tilespmem:v20+s25+$0x6080], $0xffff  }
0x27f: {  	[tilespmem:s26+$0x12410] =	vst v28;
	v27 =	vld.idx.msk [tilespmem:v10+s26+$0x6180], $0xffff  }
0x280: {  	v28 =	vld.idx.msk [tilespmem:v10+s26+$0x6000], $0xffff;
	[tilespmem:s25+$0x129F0] =	vst v29  }
0x281: {  	[tilespmem:s26+$0x12490] =	vst v30;
	v29 =	vld.idx.msk [tilespmem:v20+s25+$0x6100], $0xffff  }
0x282: {  	v30 =	vld.idx.msk [tilespmem:v10+s26+$0x6080], $0xffff;
	[tilespmem:s26+$0x12510] =	vst v26  }
0x283: {  	v26 =	vld.idx.msk [tilespmem:v10+s26+$0x6100], $0xffff;
	[tilespmem:s25+$0x12840] =	vst v24  }
0x284: {  	v24 =	vld.idx.msk [tilespmem:v21+s25+$0x6000], $0xffff;
	[tilespmem:s25+$0x128C0] =	vst v25  }
0x285: {  	[tilespmem:s26+$0x125A0] =	vst v27;
	v25 =	vld.idx.msk [tilespmem:v21+s25+$0x6080], $0xffff  }
0x286: {  	[tilespmem:s26+$0x12420] =	vst v28;
	v27 =	vld.idx.msk [tilespmem:v11+s26+$0x6180], $0xffff  }
0x287: {  	v28 =	vld.idx.msk [tilespmem:v11+s26+$0x6000], $0xffff;
	[tilespmem:s25+$0x12940] =	vst v29  }
0x288: {  	[tilespmem:s26+$0x124A0] =	vst v30;
	v30 =	vld.idx.msk [tilespmem:v21+s25+$0x6100], $0xffff  }
0x289: {  	v31 =	vld.idx.msk [tilespmem:v11+s26+$0x6080], $0xffff;
	[tilespmem:s26+$0x12520] =	vst v26  }
0x28a: {  	v32 =	vld.idx.msk [tilespmem:v11+s26+$0x6100], $0xffff;
	[tilespmem:s25+$0x12850] =	vst v24  }
0x28b: {  	v24 =	vld.idx.msk [tilespmem:v22+s25+$0x6000], $0xffff;
	[tilespmem:s25+$0x128D0] =	vst v25  }
0x28c: {  	[tilespmem:s26+$0x125B0] =	vst v27;
	v33 =	vld.idx.msk [tilespmem:v22+s25+$0x6080], $0xffff  }
0x28d: {  	[tilespmem:s26+$0x12430] =	vst v28;
	v34 =	vld.idx.msk [tilespmem:v12+s26+$0x6180], $0xffff  }
0x28e: {  	v29 =	vld.idx.msk [tilespmem:v12+s26+$0x6000], $0xffff;
	[tilespmem:s25+$0x12950] =	vst v30  }
.Ltmp3:
0x28f: {  	[tilespmem:s26+$0x124B0] =	vst v31;
	v26 =	vld.idx.msk [tilespmem:v22+s25+$0x6100], $0xffff;
	(pc) =	sbr.rel @p1 .LBB2_5-.Ltmp3, $4  }
0x290: {  	v28 =	vld.idx.msk [tilespmem:v12+s26+$0x6080], $0xffff;
	[tilespmem:s26+$0x12530] =	vst v32  }
0x291: {  	v27 =	vld.idx.msk [tilespmem:v12+s26+$0x6100], $0xffff;
	[tilespmem:s25+$0x12860] =	vst v24  }
0x292: {  	v25 =	vld.idx.msk [tilespmem:v23+s25+$0x6000], $0xffff;
	[tilespmem:s25+$0x128E0] =	vst v33  }
0x293: {  	[tilespmem:s26+$0x125C0] =	vst v34;
	v24 =	vld.idx.msk [tilespmem:v23+s25+$0x6080], $0xffff  }
0x294: {  	_ =	sdelay $0x3  }
0x295: {  	[tilespmem:s26+$0x12440] =	vst v29;
	v55 =	vld.idx.msk [tilespmem:v13+s26+$0x6180], $0xffff  }
0x296: {  	v30 =	vld.idx.msk [tilespmem:v13+s26+$0x6000], $0xffff;
	[tilespmem:s26+$0x124C0] =	vst v28  }
0x297: {  	v28 =	vld.idx.msk [tilespmem:v13+s26+$0x6080], $0xffff;
	[tilespmem:s26+$0x12540] =	vst v27  }
0x298: {  	v27 =	vld.idx.msk [tilespmem:v13+s26+$0x6100], $0xffff;
	_ =	sdelay $0x1  }
0x299: {  	[tilespmem:s26+$0x125D0] =	vst v55  }
0x29a: {  	[tilespmem:s26+$0x12450] =	vst v30;
	v29 =	vld.idx.msk [tilespmem:v14+s26+$0x6180], $0xffff  }
0x29b: {  	[tilespmem:s26+$0x124D0] =	vst v28;
	v56 =	vld.idx.msk [tilespmem:v14+s26+$0x6000], $0xffff  }
0x29c: {  	[tilespmem:s26+$0x12550] =	vst v27;
	v57 =	vld.idx.msk [tilespmem:v14+s26+$0x6080], $0xffff  }
0x29d: {  	v58 =	vld.idx.msk [tilespmem:v14+s26+$0x6100], $0xffff;
	_ =	sdelay $0x1  }
0x29e: {  	[tilespmem:s26+$0x125E0] =	vst v29  }
0x29f: {  	v29 =	vld.idx.msk [tilespmem:v15+s26+$0x6180], $0xffff;
	[tilespmem:s26+$0x12460] =	vst v56  }
0x2a0: {  	[tilespmem:s26+$0x124E0] =	vst v57;
	v59 =	vld.idx.msk [tilespmem:v15+s26+$0x6000], $0xffff  }
0x2a1: {  	[tilespmem:s26+$0x12560] =	vst v58;
	v60 =	vld.idx.msk [tilespmem:v15+s26+$0x6080], $0xffff  }
0x2a2: {  	v30 =	vld.idx.msk [tilespmem:v15+s26+$0x6100], $0xffff;
	_ =	sdelay $0x1  }
0x2a3: {  	[tilespmem:s26+$0x125F0] =	vst v29  }
0x2a4: {  	v29 =	vld.idx.msk [tilespmem:v16+s26+$0x6180], $0xffff;
	[tilespmem:s26+$0x12470] =	vst v59  }
0x2a5: {  	[tilespmem:s26+$0x124F0] =	vst v60;
	v27 =	vld.idx.msk [tilespmem:v16+s26+$0x6000], $0xffff  }
0x2a6: {  	[tilespmem:s26+$0x12570] =	vst v30;
	v28 =	vld.idx.msk [tilespmem:v16+s26+$0x6080], $0xffff  }
0x2a7: {  	v30 =	vld.idx.msk [tilespmem:v16+s26+$0x6100], $0xffff;
	_ =	sdelay $0x1  }
0x2a8: {  	[tilespmem:s26+$0x12980] =	vst v29  }
0x2a9: {  	v29 =	vld.idx.msk [tilespmem:v17+s26+$0x6180], $0xffff;
	[tilespmem:s26+$0x12800] =	vst v27  }
0x2aa: {  	[tilespmem:s26+$0x12880] =	vst v28;
	v27 =	vld.idx.msk [tilespmem:v17+s26+$0x6000], $0xffff  }
0x2ab: {  	[tilespmem:s26+$0x12900] =	vst v30;
	v28 =	vld.idx.msk [tilespmem:v17+s26+$0x6080], $0xffff  }
0x2ac: {  	v30 =	vld.idx.msk [tilespmem:v17+s26+$0x6100], $0xffff;
	_ =	sdelay $0x1  }
0x2ad: {  	[tilespmem:s26+$0x12990] =	vst v29  }
0x2ae: {  	v29 =	vld.idx.msk [tilespmem:v18+s26+$0x6180], $0xffff;
	[tilespmem:s26+$0x12810] =	vst v27  }
0x2af: {  	[tilespmem:s26+$0x12890] =	vst v28;
	v27 =	vld.idx.msk [tilespmem:v18+s26+$0x6000], $0xffff  }
0x2b0: {  	[tilespmem:s26+$0x12910] =	vst v30;
	v28 =	vld.idx.msk [tilespmem:v18+s26+$0x6080], $0xffff  }
0x2b1: {  	v30 =	vld.idx.msk [tilespmem:v18+s26+$0x6100], $0xffff;
	_ =	sdelay $0x1  }
0x2b2: {  	[tilespmem:s26+$0x129A0] =	vst v29  }
0x2b3: {  	v29 =	vld.idx.msk [tilespmem:v19+s26+$0x6180], $0xffff;
	[tilespmem:s26+$0x12820] =	vst v27  }
0x2b4: {  	[tilespmem:s26+$0x128A0] =	vst v28;
	v27 =	vld.idx.msk [tilespmem:v19+s26+$0x6000], $0xffff  }
0x2b5: {  	[tilespmem:s26+$0x12920] =	vst v30;
	v28 =	vld.idx.msk [tilespmem:v19+s26+$0x6080], $0xffff  }
0x2b6: {  	v30 =	vld.idx.msk [tilespmem:v19+s26+$0x6100], $0xffff;
	_ =	sdelay $0x1  }
0x2b7: {  	[tilespmem:s26+$0x129B0] =	vst v29  }
0x2b8: {  	v29 =	vld.idx.msk [tilespmem:v20+s26+$0x6180], $0xffff;
	[tilespmem:s26+$0x12830] =	vst v27  }
0x2b9: {  	[tilespmem:s26+$0x128B0] =	vst v28;
	v27 =	vld.idx.msk [tilespmem:v20+s26+$0x6000], $0xffff  }
0x2ba: {  	[tilespmem:s26+$0x12930] =	vst v30;
	v28 =	vld.idx.msk [tilespmem:v20+s26+$0x6080], $0xffff  }
0x2bb: {  	v30 =	vld.idx.msk [tilespmem:v20+s26+$0x6100], $0xffff;
	_ =	sdelay $0x1  }
0x2bc: {  	[tilespmem:s26+$0x129C0] =	vst v29  }
0x2bd: {  	v29 =	vld.idx.msk [tilespmem:v21+s26+$0x6180], $0xffff;
	[tilespmem:s26+$0x12840] =	vst v27  }
0x2be: {  	v27 =	vld.idx.msk [tilespmem:v21+s26+$0x6000], $0xffff;
	[tilespmem:s26+$0x128C0] =	vst v28  }
0x2bf: {  	v28 =	vld.idx.msk [tilespmem:v21+s26+$0x6080], $0xffff;
	[tilespmem:s26+$0x12940] =	vst v30  }
0x2c0: {  	v30 =	vld.idx.msk [tilespmem:v21+s26+$0x6100], $0xffff;
	_ =	sdelay $0x1  }
0x2c1: {  	[tilespmem:s26+$0x129D0] =	vst v29  }
0x2c2: {  	v29 =	vld.idx.msk [tilespmem:v22+s26+$0x6180], $0xffff;
	[tilespmem:s26+$0x12850] =	vst v27  }
0x2c3: {  	v27 =	vld.idx.msk [tilespmem:v22+s26+$0x6000], $0xffff;
	[tilespmem:s26+$0x128D0] =	vst v28  }
0x2c4: {  	v28 =	vld.idx.msk [tilespmem:v22+s26+$0x6080], $0xffff;
	[tilespmem:s26+$0x12950] =	vst v30  }
0x2c5: {  	[tilespmem:s25+$0x12960] =	vst v26;
	v61 =	vld.idx.msk [tilespmem:v22+s26+$0x6100], $0xffff  }
0x2c6: {  	[tilespmem:s25+$0x12870] =	vst v25  }
0x2c7: {  	v62 =	vld.idx.msk [tilespmem:v23+s25+$0x6100], $0xffff;
	[tilespmem:s26+$0x129E0] =	vst v29  }
0x2c8: {  	v29 =	vld.idx.msk [tilespmem:v23+s26+$0x6180], $0xffff;
	[tilespmem:s26+$0x12860] =	vst v27  }
0x2c9: {  	v27 =	vld.idx.msk [tilespmem:v23+s26+$0x6000], $0xffff;
	[tilespmem:s26+$0x128E0] =	vst v28  }
0x2ca: {  	v28 =	vld.idx.msk [tilespmem:v23+s26+$0x6080], $0xffff;
	[tilespmem:s26+$0x12960] =	vst v61  }
0x2cb: {  	[tilespmem:s25+$0x128F0] =	vst v24;
	v63 =	vld.idx.msk [tilespmem:v23+s26+$0x6100], $0xffff  }
0x2cc: {  	[tilespmem:s25+$0x12970] =	vst v62  }
.Ltmp4:
0x2cd: {  	[tilespmem:s26+$0x129F0] =	vst v29;
	(pc) =	sbr.rel @p0 .LBB2_8-.Ltmp4, $4  }
0x2ce: {  	s0 =	sadd.s32 s24, s10;
	[tilespmem:s26+$0x12870] =	vst v27  }
0x2cf: {  	s0 =	sshrl.u32 s0, $0x3;
	[tilespmem:s26+$0x128F0] =	vst v28  }
0x2d0: {  	s0 =	sadd.s32 s4, s0;
	[tilespmem:s26+$0x12970] =	vst v63  }
0x2d1: {  	[hbm4b:s0+s6] =	stream.linear.scatter [tilespmem:s19], [sflag:$0x4], $0x6000, $0x38;
	[tilespmem:$0x18180] =	vst v63  }
.Ltmp5:
0x2d2: {  	(pc) =	sbr.rel .LBB2_2-.Ltmp5, $4  }
0x2d3: {  	s0 =	sadd.s32 s24, s11  }
0x2d4: {  	s0 =	sshrl.u32 s0, $0x3  }
0x2d5: {  	s23 =	sadd.s32 $0x1, s23;
	s0 =	sadd.s32 s1, s0  }
0x2d6: {  	[tilespmem:s13], [sflag:$0x2] =	stream.linear.gather [hbm4b:s0+s6], $0x6000, $0x38;
	[tilespmem:$0x18180] =	vst v63  }
.LBB2_9:
0x2d7: {  	_ =	sfence.sel $0x180000  }
0x2d8: {  	[bflag:$0x0] =	sbarrier.arrive $0xFFFF  }
0x2d9: {  	_ =	strace $0x90000047  }
0x2da: {  	s0 =	stileid.u32;
	[bflag:$0x2] =	sbarrier.arrive $0xFFFF  }
0x2db: {  	p0 =	sne.s32 s0, $0x0;
	s0 =	rddreg [dreg:$0x3]  }
0x2dc: {  	s0 =	sadd.s32 @!p0 $0x100000, s0  }
0x2dd: {  	[sflag:s0] =	ssyncadd.tile.s32 @!p0 $0x1;
	_ =	shalt  }
.Lfunc_end2:
_tile_overlayer_lowered:
.L_overlay_start_2:
0x2de: {  	(tag) =	ssettag $0x2  }
0x2df: {  	s0 =	rddreg [dreg:$0x0];
	s2 =	stileid.u32  }
0x2e0: {  	s1 =	rddreg [dreg:$0x1];
	p0 =	sne.s32 s2, $0x0  }
0x2e1: {  	s3 =	rddreg [dreg:$0x2];
	[bflag:$0x3] =	sbarrier.arrive $0xFFFF;
	s2 =	simm.s32 @!p0 $0x1C05  }
0x2e2: {  	[timem:s3], [sflag:s2] =	dma.local @!p0 [hbm:s0], s1  }
0x2e3: {  	s0 =	simm.s32 @!p0 $0x5  }
0x2e4: {  	_ =	swait.ge @!p0 [sflag:s0], s1  }
0x2e5: {  	s1 =	ssub.s32 @!p0 $0x0, s1;
	[sflag:s0] =	ssyncset.done @!p0 $0x0  }
0x2e6: {  	[sflag:s0] =	ssyncadd.s32 @!p0 s1  }
0x2e7: {  	[bflag:$0x3] =	sbarrier.arrive $0xFFFF  }
0x2e8: {  	_ =	shalt  }

</sc_bundles>
